<compile_context>
chip_gen: v7x
topology: tpu7x:2x2x1
jax: 0.10.2.dev20260603
libtpu: 0.0.44.dev20260713+nightly
codegen_flags: <defaults>
</compile_context>

<pallas_src>
import functools

import jax
import jax.numpy as jnp
from jax import lax
from jax.experimental import pallas as pl
from jax.experimental.pallas import tpu as pltpu
from jax.experimental.pallas import tpu_sc as plsc

N_ROWS = 320000
D = 128
NUM_SEGMENTS = 1024
CHUNK = 128
N_CHUNKS = N_ROWS // CHUNK
NC = 2
NS = 16
NW = NC * NS
NBUF = 4

_mesh = plsc.VectorSubcoreMesh(core_axis_name="c", subcore_axis_name="s")

_f32 = jnp.float32
_i32 = jnp.int32


@functools.partial(
    pl.kernel,
    out_type=(
        jax.ShapeDtypeStruct((NC * NUM_SEGMENTS, D), _f32),
        jax.ShapeDtypeStruct((NW, NUM_SEGMENTS), _f32),
    ),
    mesh=_mesh,
    compiler_params=pltpu.CompilerParams(needs_layout_passes=False),
    scratch_types=[
        pltpu.VMEM_SHARED((NUM_SEGMENTS, D), _f32),
        *[pltpu.VMEM((CHUNK, D), _f32) for _ in range(NBUF)],
        *[pltpu.VMEM((CHUNK,), _i32) for _ in range(NBUF)],
        pltpu.VMEM((NUM_SEGMENTS,), _f32),
        pltpu.VMEM((16, D), _f32),
        *[pltpu.SemaphoreType.DMA for _ in range(3 * NBUF)],
    ],
)
def _partial_sums(x_hbm, batch_hbm, psum_hbm, pcnt_hbm, acc, *rest):
    xb = rest[0:NBUF]
    ib = rest[NBUF:2 * NBUF]
    cnt = rest[2 * NBUF]
    zrow = rest[2 * NBUF + 1]
    semx = rest[2 * NBUF + 2:3 * NBUF + 2]
    semi = rest[3 * NBUF + 2:4 * NBUF + 2]
    sems = rest[4 * NBUF + 2:5 * NBUF + 2]
    core = lax.axis_index("c")
    sub = lax.axis_index("s")
    wid = core * NS + sub

    z16 = jnp.zeros((16,), _f32)

    def _fill(k, _):
        zrow[k // 8, pl.ds((k % 8) * 16, 16)] = z16
        return 0
    lax.fori_loop(0, CHUNK, _fill, 0)

    def _fillc(k, _):
        cnt[pl.ds(k * 16, 16)] = z16
        return 0
    lax.fori_loop(0, NUM_SEGMENTS // 16, _fillc, 0)

    seg_base = sub * (NUM_SEGMENTS // NS)
    for t in range(NUM_SEGMENTS // NS // 16):
        pltpu.sync_copy(zrow, acc.at[pl.ds(seg_base + t * 16, 16)])
    plsc.subcore_barrier()

    per = N_CHUNKS // NW
    rem = N_CHUNKS - per * NW
    start = wid * per + jnp.minimum(wid, rem)
    n_mine = per + jnp.where(wid < rem, 1, 0)

    def _group(p, _):
        for b in range(NBUF):
            i = NBUF * p + b

            @pl.when(i < n_mine)
            def _gather(i=i, b=b):
                @pl.when(i >= NBUF)
                def _():
                    pltpu.make_async_copy(xb[b], acc.at[ib[b]], sems[b]).wait()
                r0 = (start + i) * CHUNK
                pltpu.async_copy(batch_hbm.at[pl.ds(r0, CHUNK)], ib[b], semi[b])
                pltpu.async_copy(x_hbm.at[pl.ds(r0, CHUNK)], xb[b], semx[b])

            @pl.when(jnp.logical_and(i >= 2, i <= n_mine + 1))
            def _consume(i=i, b=b):
                o = (b - 2) % NBUF
                pltpu.make_async_copy(batch_hbm.at[pl.ds(0, CHUNK)],
                                      ib[o], semi[o]).wait()
                pltpu.make_async_copy(x_hbm.at[pl.ds(0, CHUNK)],
                                      xb[o], semx[o]).wait()
                pltpu.async_copy(xb[o], acc.at[ib[o]], sems[o], add=True)
                for j in range(CHUNK // 16):
                    cur = ib[o][pl.ds(16 * j, 16)]
                    run, last = plsc.scan_count(cur)
                    plsc.addupdate_scatter(cnt, [cur], run.astype(_f32),
                                           mask=last)
        return 0
    n_steps = n_mine + 2
    lax.fori_loop(0, (n_steps + NBUF - 1) // NBUF, _group, 0)

    for k in range(NBUF):
        @pl.when(k < jnp.minimum(n_mine, NBUF))
        def _(k=k):
            pltpu.make_async_copy(xb[k], acc.at[ib[k]], sems[k]).wait()

    plsc.subcore_barrier()

    rows = NUM_SEGMENTS // NS
    out_base = core * NUM_SEGMENTS + sub * rows
    pltpu.sync_copy(acc.at[pl.ds(sub * rows, rows)],
                    psum_hbm.at[pl.ds(out_base, rows)])
    pltpu.sync_copy(cnt, pcnt_hbm.at[wid])


def _combine_body(psum_ref, pcnt_ref, out_ref):
    s = psum_ref[0:NUM_SEGMENTS, :] + psum_ref[NUM_SEGMENTS:2 * NUM_SEGMENTS, :]
    c = jnp.sum(pcnt_ref[...], axis=0)
    out_ref[...] = s / jnp.maximum(c, 1.0)[:, None]


def _combine(psum, pcnt):
    return pl.pallas_call(
        _combine_body,
        out_shape=jax.ShapeDtypeStruct((NUM_SEGMENTS, D), _f32),
    )(psum, pcnt)


def kernel(x, batch):
    batch = batch.astype(jnp.int32)
    psum, pcnt = _partial_sums(x, batch)
    return _combine(psum, pcnt)

# --- scband reference (transcript-rebuilt; emitter-appended) ---
"""Pipeline reference for scband-token-aggregator-6030134083936 (READ-ONLY COPY).

The authoritative reference and input builder live on the scoring server;
editing this copy changes nothing except your own understanding.
"""

import jax, jax.numpy as jnp
import numpy as np

NUM_SEGMENTS = 1024

def setup_inputs(seed: int = 0) -> dict:
    key = jax.random.key(seed)
    k1, k2 = jax.random.split(key)
    x = jax.random.normal(k1, (320000, 128), dtype=jnp.float32)
    batch = jnp.sort(jax.random.randint(k2, (320000,), 0, NUM_SEGMENTS, dtype=jnp.int64))
    return {"x": x, "batch": batch}

def reference(x, batch):
    # scatter_mean(x, batch, dim=0): per-segment sum divided by per-segment count
    seg_sum = jax.ops.segment_sum(x, batch, num_segments=NUM_SEGMENTS)
    counts = jax.ops.segment_sum(jnp.ones((x.shape[0],), dtype=x.dtype), batch, num_segments=NUM_SEGMENTS)
    counts = jnp.clip(counts, 1.0, None)
    return seg_sum / counts[:, None]

if __name__ == "__main__":
    import jax
    _d = setup_inputs()
    print(jax.jit(kernel)(*tuple(_d.values())))

</pallas_src>

<mosaic_0001>
#map = affine_map<(d0, d1) -> (0, 0)>
#map1 = affine_map<(d0, d1) -> (0)>
module attributes {stable_mosaic.version = 14 : i64} {
  func.func @_partial_sums(%arg0: i32, %arg1: i32, %arg2: memref<320000x128xf32, #tpu.memory_space<hbm>>, %arg3: memref<320000xi32, #tpu.memory_space<hbm>>, %arg4: memref<2048x128xf32, #tpu.memory_space<hbm>>, %arg5: memref<32x1024xf32, #tpu.memory_space<hbm>>, %arg6: memref<1024x128xf32, #tpu.memory_space<vmem_shared>>, %arg7: memref<128x128xf32, #tpu.memory_space<vmem>>, %arg8: memref<128x128xf32, #tpu.memory_space<vmem>>, %arg9: memref<128x128xf32, #tpu.memory_space<vmem>>, %arg10: memref<128x128xf32, #tpu.memory_space<vmem>>, %arg11: memref<128xi32, #tpu.memory_space<vmem>>, %arg12: memref<128xi32, #tpu.memory_space<vmem>>, %arg13: memref<128xi32, #tpu.memory_space<vmem>>, %arg14: memref<128xi32, #tpu.memory_space<vmem>>, %arg15: memref<1024xf32, #tpu.memory_space<vmem>>, %arg16: memref<16x128xf32, #tpu.memory_space<vmem>>, %arg17: memref<!tpu.dma_semaphore, #tpu.memory_space<semaphore_mem>>, %arg18: memref<!tpu.dma_semaphore, #tpu.memory_space<semaphore_mem>>, %arg19: memref<!tpu.dma_semaphore, #tpu.memory_space<semaphore_mem>>, %arg20: memref<!tpu.dma_semaphore, #tpu.memory_space<semaphore_mem>>, %arg21: memref<!tpu.dma_semaphore, #tpu.memory_space<semaphore_mem>>, %arg22: memref<!tpu.dma_semaphore, #tpu.memory_space<semaphore_mem>>, %arg23: memref<!tpu.dma_semaphore, #tpu.memory_space<semaphore_mem>>, %arg24: memref<!tpu.dma_semaphore, #tpu.memory_space<semaphore_mem>>, %arg25: memref<!tpu.dma_semaphore, #tpu.memory_space<semaphore_mem>>, %arg26: memref<!tpu.dma_semaphore, #tpu.memory_space<semaphore_mem>>, %arg27: memref<!tpu.dma_semaphore, #tpu.memory_space<semaphore_mem>>, %arg28: memref<!tpu.dma_semaphore, #tpu.memory_space<semaphore_mem>>) attributes {dimension_semantics = [#tpu.dimension_semantics<core_parallel>, #tpu.dimension_semantics<subcore_parallel>], iteration_bounds = array<i64: 2, 16>, scalar_prefetch = 0 : i64, scratch_operands = 23 : i64, tpu.core_type = #tpu.core_type<sc_vector_subcore>, window_params = [{transform_indices = #map}, {transform_indices = #map1}, {transform_indices = #map}, {transform_indices = #map}]} {
    %mul3A = arith.constant 16 : i32
    %mul3A_0 = arith.muli %arg0, %mul3A : i32
    %add3A = arith.addi %mul3A_0, %arg1 : i32
    %broadcast_in_dim3A = arith.constant 0.000000e+00 : f32
    %broadcast_in_dim3A_1 = vector.broadcast %broadcast_in_dim3A : f32 to vector<16xf32>
    %scan3A = arith.constant 0 : i32
    %scan3A_2 = arith.constant 0 : i32
    %scan3A_3 = arith.constant 128 : i32
    %scan3A_4 = arith.addi %scan3A_2, %scan3A_3 : i32
    %scan3A_5 = arith.constant 1 : i32
    %scan3A_6 = scf.for %scan3A_101 = %scan3A_2 to %scan3A_4 step %scan3A_5 iter_args(%scan3A_102 = %scan3A) -> (i32)  : i32 {
      %jit3A_103 = arith.constant 8 : i32
      %div3A_104 = arith.divsi %scan3A_101, %jit3A_103 : i32
      %sign3A_105 = arith.constant 0 : i32
      %sign3A_106 = arith.cmpi sgt, %scan3A_101, %sign3A_105 : i32
      %sign3A_107 = arith.extui %sign3A_106 : i1 to i32
      %sign3A_108 = arith.constant 0 : i32
      %sign3A_109 = arith.cmpi slt, %scan3A_101, %sign3A_108 : i32
      %sign3A_110 = arith.extui %sign3A_109 : i1 to i32
      %sign3A_111 = arith.subi %sign3A_107, %sign3A_110 : i32
      %sign3A_112 = arith.constant 0 : i32
      %sign3A_113 = arith.cmpi sgt, %jit3A_103, %sign3A_112 : i32
      %sign3A_114 = arith.extui %sign3A_113 : i1 to i32
      %sign3A_115 = arith.constant 0 : i32
      %sign3A_116 = arith.cmpi slt, %jit3A_103, %sign3A_115 : i32
      %sign3A_117 = arith.extui %sign3A_116 : i1 to i32
      %sign3A_118 = arith.subi %sign3A_114, %sign3A_117 : i32
      %ne3A_119 = arith.cmpi ne, %sign3A_111, %sign3A_118 : i32
      %rem3A_120 = arith.remsi %scan3A_101, %jit3A_103 : i32
      %ne3A_121 = arith.constant 0 : i32
      %ne3A_122 = arith.cmpi ne, %rem3A_120, %ne3A_121 : i32
      %and3A_123 = arith.andi %ne3A_119, %ne3A_122 : i1
      %sub3A_124 = arith.constant 1 : i32
      %sub3A_125 = arith.subi %div3A_104, %sub3A_124 : i32
      %select_n3A_126 = arith.select %and3A_123, %sub3A_125, %div3A_104 : i32
      %jit3A_127 = arith.constant 8 : i32
      %eq3A = arith.constant 0 : i32
      %eq3A_128 = arith.cmpi eq, %jit3A_127, %eq3A : i32
      %jit3A_129 = arith.constant 1 : i32
      %select_n3A_130 = arith.select %eq3A_128, %jit3A_129, %jit3A_127 : i32
      %rem3A_131 = arith.remsi %scan3A_101, %select_n3A_130 : i32
      %ne3A_132 = arith.constant 0 : i32
      %ne3A_133 = arith.cmpi ne, %rem3A_131, %ne3A_132 : i32
      %lt3A_134 = arith.constant 0 : i32
      %lt3A_135 = arith.cmpi slt, %rem3A_131, %lt3A_134 : i32
      %lt3A_136 = arith.constant 0 : i32
      %lt3A_137 = arith.cmpi slt, %select_n3A_130, %lt3A_136 : i32
      %ne3A_138 = arith.xori %lt3A_135, %lt3A_137 : i1
      %and3A_139 = arith.andi %ne3A_138, %ne3A_133 : i1
      %add3A_140 = arith.addi %rem3A_131, %select_n3A_130 : i32
      %select_n3A_141 = arith.select %and3A_139, %add3A_140, %rem3A_131 : i32
      %mul3A_142 = arith.constant 16 : i32
      %mul3A_143 = arith.muli %select_n3A_141, %mul3A_142 : i32
      %swap3A = arith.index_cast %select_n3A_126 : i32 to index
      %swap3A_144 = arith.index_cast %mul3A_143 : i32 to index
      %swap3A_145 = tpu.vector_load %arg16[%swap3A, %swap3A_144] {strides = array<i32>} : memref<16x128xf32, #tpu.memory_space<vmem>>, vector<16xf32>,
      tpu.vector_store %arg16[%swap3A, %swap3A_144], %broadcast_in_dim3A_1 {strides = array<i32>} : memref<16x128xf32, #tpu.memory_space<vmem>>, vector<16xf32>,
      %scan3A_146 = arith.constant 0 : i32
      scf.yield %scan3A_146 : i32
    }
    %scan3A_7 = arith.constant 128 : i32
    %scan3A_8 = arith.constant 0 : i32
    %scan3A_9 = arith.constant 0 : i32
    %scan3A_10 = arith.constant 64 : i32
    %scan3A_11 = arith.addi %scan3A_9, %scan3A_10 : i32
    %scan3A_12 = arith.constant 1 : i32
    %scan3A_13 = scf.for %scan3A_101 = %scan3A_9 to %scan3A_11 step %scan3A_12 iter_args(%scan3A_102 = %scan3A_8) -> (i32)  : i32 {
      %mul3A_103 = arith.constant 16 : i32
      %mul3A_104 = arith.muli %scan3A_101, %mul3A_103 : i32
      %swap3A = arith.index_cast %mul3A_104 : i32 to index
      %swap3A_105 = tpu.vector_load %arg15[%swap3A] {strides = array<i32>} : memref<1024xf32, #tpu.memory_space<vmem>>, vector<16xf32>,
      tpu.vector_store %arg15[%swap3A], %broadcast_in_dim3A_1 {strides = array<i32>} : memref<1024xf32, #tpu.memory_space<vmem>>, vector<16xf32>,
      %scan3A_106 = arith.constant 0 : i32
      scf.yield %scan3A_106 : i32
    }
    %scan3A_14 = arith.constant 64 : i32
    %mul3A_15 = arith.constant 64 : i32
    %mul3A_16 = arith.muli %arg1, %mul3A_15 : i32
    %add3A_17 = arith.constant 0 : i32
    %add3A_18 = arith.addi %mul3A_16, %add3A_17 : i32
    "tpu.region"() ({
      %run_scoped3A = tpu.sem_alloc : memref<!tpu.dma_semaphore, #tpu.memory_space<semaphore_mem>>
      %dma_start3A = arith.constant 0 : i32
      %dma_start3A_101 = tpu.memref_slice %arg6[%add3A_18, %dma_start3A] : memref<1024x128xf32, #tpu.memory_space<vmem_shared>> -> memref<16x128xf32, #tpu.memory_space<vmem_shared>>
      %dma_start3A_102 = arith.constant 0 : i32
      %dma_start3A_103 = tpu.memref_slice %arg6[%add3A_18, %dma_start3A_102] : memref<1024x128xf32, #tpu.memory_space<vmem_shared>> -> memref<16x128xf32, #tpu.memory_space<vmem_shared>>
      tpu.enqueue_dma source(%arg16 : memref<16x128xf32, #tpu.memory_space<vmem>>) target(%dma_start3A_103 : memref<16x128xf32, #tpu.memory_space<vmem_shared>>) target_semaphore(%run_scoped3A : memref<!tpu.dma_semaphore, #tpu.memory_space<semaphore_mem>>)
      %dma_wait3A = arith.constant 0 : i32
      %dma_wait3A_104 = tpu.memref_slice %arg6[%add3A_18, %dma_wait3A] : memref<1024x128xf32, #tpu.memory_space<vmem_shared>> -> memref<16x128xf32, #tpu.memory_space<vmem_shared>>
      %dma_wait3A_105 = arith.constant 0 : i32
      %dma_wait3A_106 = tpu.memref_slice %arg6[%add3A_18, %dma_wait3A_105] : memref<1024x128xf32, #tpu.memory_space<vmem_shared>> -> memref<16x128xf32, #tpu.memory_space<vmem_shared>>
      tpu.wait_dma2 semaphore(%run_scoped3A : memref<!tpu.dma_semaphore, #tpu.memory_space<semaphore_mem>>) src(%arg16 : memref<16x128xf32, #tpu.memory_space<vmem>>) dst(%dma_wait3A_106 : memref<16x128xf32, #tpu.memory_space<vmem_shared>>)
      tpu.yield
    }) : () -> ()
    %add3A_19 = arith.constant 16 : i32
    %add3A_20 = arith.addi %mul3A_16, %add3A_19 : i32
    "tpu.region"() ({
      %run_scoped3A = tpu.sem_alloc : memref<!tpu.dma_semaphore, #tpu.memory_space<semaphore_mem>>
      %dma_start3A = arith.constant 0 : i32
      %dma_start3A_101 = tpu.memref_slice %arg6[%add3A_20, %dma_start3A] : memref<1024x128xf32, #tpu.memory_space<vmem_shared>> -> memref<16x128xf32, #tpu.memory_space<vmem_shared>>
      %dma_start3A_102 = arith.constant 0 : i32
      %dma_start3A_103 = tpu.memref_slice %arg6[%add3A_20, %dma_start3A_102] : memref<1024x128xf32, #tpu.memory_space<vmem_shared>> -> memref<16x128xf32, #tpu.memory_space<vmem_shared>>
      tpu.enqueue_dma source(%arg16 : memref<16x128xf32, #tpu.memory_space<vmem>>) target(%dma_start3A_103 : memref<16x128xf32, #tpu.memory_space<vmem_shared>>) target_semaphore(%run_scoped3A : memref<!tpu.dma_semaphore, #tpu.memory_space<semaphore_mem>>)
      %dma_wait3A = arith.constant 0 : i32
      %dma_wait3A_104 = tpu.memref_slice %arg6[%add3A_20, %dma_wait3A] : memref<1024x128xf32, #tpu.memory_space<vmem_shared>> -> memref<16x128xf32, #tpu.memory_space<vmem_shared>>
      %dma_wait3A_105 = arith.constant 0 : i32
      %dma_wait3A_106 = tpu.memref_slice %arg6[%add3A_20, %dma_wait3A_105] : memref<1024x128xf32, #tpu.memory_space<vmem_shared>> -> memref<16x128xf32, #tpu.memory_space<vmem_shared>>
      tpu.wait_dma2 semaphore(%run_scoped3A : memref<!tpu.dma_semaphore, #tpu.memory_space<semaphore_mem>>) src(%arg16 : memref<16x128xf32, #tpu.memory_space<vmem>>) dst(%dma_wait3A_106 : memref<16x128xf32, #tpu.memory_space<vmem_shared>>)
      tpu.yield
    }) : () -> ()
    %add3A_21 = arith.constant 32 : i32
    %add3A_22 = arith.addi %mul3A_16, %add3A_21 : i32
    "tpu.region"() ({
      %run_scoped3A = tpu.sem_alloc : memref<!tpu.dma_semaphore, #tpu.memory_space<semaphore_mem>>
      %dma_start3A = arith.constant 0 : i32
      %dma_start3A_101 = tpu.memref_slice %arg6[%add3A_22, %dma_start3A] : memref<1024x128xf32, #tpu.memory_space<vmem_shared>> -> memref<16x128xf32, #tpu.memory_space<vmem_shared>>
      %dma_start3A_102 = arith.constant 0 : i32
      %dma_start3A_103 = tpu.memref_slice %arg6[%add3A_22, %dma_start3A_102] : memref<1024x128xf32, #tpu.memory_space<vmem_shared>> -> memref<16x128xf32, #tpu.memory_space<vmem_shared>>
      tpu.enqueue_dma source(%arg16 : memref<16x128xf32, #tpu.memory_space<vmem>>) target(%dma_start3A_103 : memref<16x128xf32, #tpu.memory_space<vmem_shared>>) target_semaphore(%run_scoped3A : memref<!tpu.dma_semaphore, #tpu.memory_space<semaphore_mem>>)
      %dma_wait3A = arith.constant 0 : i32
      %dma_wait3A_104 = tpu.memref_slice %arg6[%add3A_22, %dma_wait3A] : memref<1024x128xf32, #tpu.memory_space<vmem_shared>> -> memref<16x128xf32, #tpu.memory_space<vmem_shared>>
      %dma_wait3A_105 = arith.constant 0 : i32
      %dma_wait3A_106 = tpu.memref_slice %arg6[%add3A_22, %dma_wait3A_105] : memref<1024x128xf32, #tpu.memory_space<vmem_shared>> -> memref<16x128xf32, #tpu.memory_space<vmem_shared>>
      tpu.wait_dma2 semaphore(%run_scoped3A : memref<!tpu.dma_semaphore, #tpu.memory_space<semaphore_mem>>) src(%arg16 : memref<16x128xf32, #tpu.memory_space<vmem>>) dst(%dma_wait3A_106 : memref<16x128xf32, #tpu.memory_space<vmem_shared>>)
      tpu.yield
    }) : () -> ()
    %add3A_23 = arith.constant 48 : i32
    %add3A_24 = arith.addi %mul3A_16, %add3A_23 : i32
    "tpu.region"() ({
      %run_scoped3A = tpu.sem_alloc : memref<!tpu.dma_semaphore, #tpu.memory_space<semaphore_mem>>
      %dma_start3A = arith.constant 0 : i32
      %dma_start3A_101 = tpu.memref_slice %arg6[%add3A_24, %dma_start3A] : memref<1024x128xf32, #tpu.memory_space<vmem_shared>> -> memref<16x128xf32, #tpu.memory_space<vmem_shared>>
      %dma_start3A_102 = arith.constant 0 : i32
      %dma_start3A_103 = tpu.memref_slice %arg6[%add3A_24, %dma_start3A_102] : memref<1024x128xf32, #tpu.memory_space<vmem_shared>> -> memref<16x128xf32, #tpu.memory_space<vmem_shared>>
      tpu.enqueue_dma source(%arg16 : memref<16x128xf32, #tpu.memory_space<vmem>>) target(%dma_start3A_103 : memref<16x128xf32, #tpu.memory_space<vmem_shared>>) target_semaphore(%run_scoped3A : memref<!tpu.dma_semaphore, #tpu.memory_space<semaphore_mem>>)
      %dma_wait3A = arith.constant 0 : i32
      %dma_wait3A_104 = tpu.memref_slice %arg6[%add3A_24, %dma_wait3A] : memref<1024x128xf32, #tpu.memory_space<vmem_shared>> -> memref<16x128xf32, #tpu.memory_space<vmem_shared>>
      %dma_wait3A_105 = arith.constant 0 : i32
      %dma_wait3A_106 = tpu.memref_slice %arg6[%add3A_24, %dma_wait3A_105] : memref<1024x128xf32, #tpu.memory_space<vmem_shared>> -> memref<16x128xf32, #tpu.memory_space<vmem_shared>>
      tpu.wait_dma2 semaphore(%run_scoped3A : memref<!tpu.dma_semaphore, #tpu.memory_space<semaphore_mem>>) src(%arg16 : memref<16x128xf32, #tpu.memory_space<vmem>>) dst(%dma_wait3A_106 : memref<16x128xf32, #tpu.memory_space<vmem_shared>>)
      tpu.yield
    }) : () -> ()
    %barrier3A = arith.constant 0 : index
    tpu.barrier barrier_id(%barrier3A)
    %mul3A_25 = arith.constant 78 : i32
    %mul3A_26 = arith.muli %add3A, %mul3A_25 : i32
    %min3A = arith.constant 4 : i32
    %min3A_27 = arith.minsi %add3A, %min3A : i32
    %add3A_28 = arith.addi %mul3A_26, %min3A_27 : i32
    %lt3A = arith.constant 4 : i32
    %lt3A_29 = arith.cmpi slt, %add3A, %lt3A : i32
    %jit3A = arith.constant 1 : i32
    %jit3A_30 = arith.constant 0 : i32
    %select_n3A = arith.select %lt3A_29, %jit3A, %jit3A_30 : i32
    %add3A_31 = arith.constant 78 : i32
    %add3A_32 = arith.addi %add3A_31, %select_n3A : i32
    %add3A_33 = arith.constant 2 : i32
    %add3A_34 = arith.addi %add3A_32, %add3A_33 : i32
    %add3A_35 = arith.constant 4 : i32
    %add3A_36 = arith.addi %add3A_34, %add3A_35 : i32
    %sub3A = arith.constant 1 : i32
    %sub3A_37 = arith.subi %add3A_36, %sub3A : i32
    %jit3A_38 = arith.constant 4 : i32
    %div3A = arith.divsi %sub3A_37, %jit3A_38 : i32
    %sign3A = arith.constant 0 : i32
    %sign3A_39 = arith.cmpi sgt, %sub3A_37, %sign3A : i32
    %sign3A_40 = arith.extui %sign3A_39 : i1 to i32
    %sign3A_41 = arith.constant 0 : i32
    %sign3A_42 = arith.cmpi slt, %sub3A_37, %sign3A_41 : i32
    %sign3A_43 = arith.extui %sign3A_42 : i1 to i32
    %sign3A_44 = arith.subi %sign3A_40, %sign3A_43 : i32
    %sign3A_45 = arith.constant 0 : i32
    %sign3A_46 = arith.cmpi sgt, %jit3A_38, %sign3A_45 : i32
    %sign3A_47 = arith.extui %sign3A_46 : i1 to i32
    %sign3A_48 = arith.constant 0 : i32
    %sign3A_49 = arith.cmpi slt, %jit3A_38, %sign3A_48 : i32
    %sign3A_50 = arith.extui %sign3A_49 : i1 to i32
    %sign3A_51 = arith.subi %sign3A_47, %sign3A_50 : i32
    %ne3A = arith.cmpi ne, %sign3A_44, %sign3A_51 : i32
    %rem3A = arith.remsi %sub3A_37, %jit3A_38 : i32
    %ne3A_52 = arith.constant 0 : i32
    %ne3A_53 = arith.cmpi ne, %rem3A, %ne3A_52 : i32
    %and3A = arith.andi %ne3A, %ne3A_53 : i1
    %sub3A_54 = arith.constant 1 : i32
    %sub3A_55 = arith.subi %div3A, %sub3A_54 : i32
    %select_n3A_56 = arith.select %and3A, %sub3A_55, %div3A : i32
    %while3A = arith.constant 0 : i32
    %while3A_57 = arith.constant 0 : i32
    %while3A_58 = arith.subi %select_n3A_56, %while3A : i32
    %while3A_59 = arith.addi %while3A, %while3A_58 : i32
    %while3A_60 = arith.constant 1 : i32
    %while3A_61 = arith.divsi %while3A_58, %while3A_60 : i32
    %while3A_62 = arith.muli %while3A_61, %while3A_60 : i32
    %while3A_63 = arith.addi %while3A, %while3A_62 : i32
    %while3A_64 = arith.constant 1 : i32
    %while3A_65 = scf.for %while3A_101 = %while3A to %while3A_63 step %while3A_64 iter_args(%while3A_102 = %while3A_57) -> (i32)  : i32 {
      %mul3A_103 = arith.constant 4 : i32
      %mul3A_104 = arith.muli %mul3A_103, %while3A_101 : i32
      %add3A_105 = arith.constant 0 : i32
      %add3A_106 = arith.addi %mul3A_104, %add3A_105 : i32
      %lt3A_107 = arith.cmpi slt, %add3A_106, %add3A_32 : i32
      %convert_element_type3A_108 = arith.extui %lt3A_107 : i1 to i32
      %cond3A_109 = arith.constant 0 : i32
      %cond3A_110 = arith.cmpi ne, %convert_element_type3A_108, %cond3A_109 : i32
      scf.if %cond3A_110 {
        %ge3A_170 = arith.constant 4 : i32
        %ge3A_171 = arith.cmpi sge, %add3A_106, %ge3A_170 : i32
        %convert_element_type3A_172 = arith.extui %ge3A_171 : i1 to i32
        %cond3A_173 = arith.constant 0 : i32
        %cond3A_174 = arith.cmpi ne, %convert_element_type3A_172, %cond3A_173 : i32
        scf.if %cond3A_174 {
          %dma_wait3A = arith.constant 0 : i32
          %dma_wait3A_183 = arith.constant 0 : i32
          %dma_wait3A_184 = tpu.memref_slice %arg6[%dma_wait3A, %dma_wait3A_183] : memref<1024x128xf32, #tpu.memory_space<vmem_shared>> -> memref<1024x128xf32, #tpu.memory_space<vmem_shared>>
          tpu.wait_indirect_dma semaphore(%arg25 : memref<!tpu.dma_semaphore, #tpu.memory_space<semaphore_mem>>) src(%arg7 : memref<128x128xf32, #tpu.memory_space<vmem>>) dst(%dma_wait3A_184 : memref<1024x128xf32, #tpu.memory_space<vmem_shared>>)
        } else {
        }
        %add3A_175 = arith.addi %add3A_28, %add3A_106 : i32
        %mul3A_176 = arith.constant 128 : i32
        %mul3A_177 = arith.muli %add3A_175, %mul3A_176 : i32
        %dma_start3A = tpu.memref_slice %arg3[%mul3A_177] : memref<320000xi32, #tpu.memory_space<hbm>> -> memref<128xi32, #tpu.memory_space<hbm>>
        %dma_start3A_178 = tpu.memref_slice %arg3[%mul3A_177] : memref<320000xi32, #tpu.memory_space<hbm>> -> memref<128xi32, #tpu.memory_space<hbm>>
        tpu.enqueue_dma source(%dma_start3A_178 : memref<128xi32, #tpu.memory_space<hbm>>) target(%arg11 : memref<128xi32, #tpu.memory_space<vmem>>) target_semaphore(%arg21 : memref<!tpu.dma_semaphore, #tpu.memory_space<semaphore_mem>>)
        %dma_start3A_179 = arith.constant 0 : i32
        %dma_start3A_180 = tpu.memref_slice %arg2[%mul3A_177, %dma_start3A_179] : memref<320000x128xf32, #tpu.memory_space<hbm>> -> memref<128x128xf32, #tpu.memory_space<hbm>>
        %dma_start3A_181 = arith.constant 0 : i32
        %dma_start3A_182 = tpu.memref_slice %arg2[%mul3A_177, %dma_start3A_181] : memref<320000x128xf32, #tpu.memory_space<hbm>> -> memref<128x128xf32, #tpu.memory_space<hbm>>
        tpu.enqueue_dma source(%dma_start3A_182 : memref<128x128xf32, #tpu.memory_space<hbm>>) target(%arg7 : memref<128x128xf32, #tpu.memory_space<vmem>>) target_semaphore(%arg17 : memref<!tpu.dma_semaphore, #tpu.memory_space<semaphore_mem>>)
      } else {
      }
      %ge3A = arith.constant 2 : i32
      %ge3A_111 = arith.cmpi sge, %add3A_106, %ge3A : i32
      %add3A_112 = arith.constant 1 : i32
      %add3A_113 = arith.addi %add3A_32, %add3A_112 : i32
      %le3A = arith.cmpi sle, %add3A_106, %add3A_113 : i32
      %and3A_114 = arith.andi %ge3A_111, %le3A : i1
      %convert_element_type3A_115 = arith.extui %and3A_114 : i1 to i32
      %cond3A_116 = arith.constant 0 : i32
      %cond3A_117 = arith.cmpi ne, %convert_element_type3A_115, %cond3A_116 : i32
      scf.if %cond3A_117 {
        %dma_wait3A = arith.constant 0 : i32
        %dma_wait3A_170 = tpu.memref_slice %arg3[%dma_wait3A] : memref<320000xi32, #tpu.memory_space<hbm>> -> memref<128xi32, #tpu.memory_space<hbm>>
        %dma_wait3A_171 = arith.constant 0 : i32
        %dma_wait3A_172 = tpu.memref_slice %arg3[%dma_wait3A_171] : memref<320000xi32, #tpu.memory_space<hbm>> -> memref<128xi32, #tpu.memory_space<hbm>>
        tpu.wait_dma2 semaphore(%arg23 : memref<!tpu.dma_semaphore, #tpu.memory_space<semaphore_mem>>) src(%dma_wait3A_172 : memref<128xi32, #tpu.memory_space<hbm>>) dst(%arg13 : memref<128xi32, #tpu.memory_space<vmem>>)
        %dma_wait3A_173 = arith.constant 0 : i32
        %dma_wait3A_174 = arith.constant 0 : i32
        %dma_wait3A_175 = tpu.memref_slice %arg2[%dma_wait3A_173, %dma_wait3A_174] : memref<320000x128xf32, #tpu.memory_space<hbm>> -> memref<128x128xf32, #tpu.memory_space<hbm>>
        %dma_wait3A_176 = arith.constant 0 : i32
        %dma_wait3A_177 = arith.constant 0 : i32
        %dma_wait3A_178 = tpu.memref_slice %arg2[%dma_wait3A_176, %dma_wait3A_177] : memref<320000x128xf32, #tpu.memory_space<hbm>> -> memref<128x128xf32, #tpu.memory_space<hbm>>
        tpu.wait_dma2 semaphore(%arg19 : memref<!tpu.dma_semaphore, #tpu.memory_space<semaphore_mem>>) src(%dma_wait3A_178 : memref<128x128xf32, #tpu.memory_space<hbm>>) dst(%arg9 : memref<128x128xf32, #tpu.memory_space<vmem>>)
        %dma_start3A = arith.constant 0 : i32
        %dma_start3A_179 = arith.constant 0 : i32
        %dma_start3A_180 = tpu.memref_slice %arg6[%dma_start3A, %dma_start3A_179] : memref<1024x128xf32, #tpu.memory_space<vmem_shared>> -> memref<1024x128xf32, #tpu.memory_space<vmem_shared>>
        tpu.enqueue_indirect_dma source(%arg9 : memref<128x128xf32, #tpu.memory_space<vmem>>) target(%dma_start3A_180 : memref<1024x128xf32, #tpu.memory_space<vmem_shared>>) offsets(%arg13 : memref<128xi32, #tpu.memory_space<vmem>>) semaphore(%arg27 : memref<!tpu.dma_semaphore, #tpu.memory_space<semaphore_mem>>) {add = true}
        %get3A = arith.constant 0 : index
        %get3A_181 = tpu.vector_load %arg13[%get3A] {strides = array<i32>} : memref<128xi32, #tpu.memory_space<vmem>>, vector<16xi32>,
        %broadcast_in_dim3A_182 = arith.constant true
        %broadcast_in_dim3A_183 = vector.broadcast %broadcast_in_dim3A_182 : i1 to vector<16xi1>
        %unique3A, %unique3A_184 = tpu.scan_count mask(%broadcast_in_dim3A_183 : vector<16xi1>) value(%get3A_181 : vector<16xi32>) : vector<16xi1>, vector<16xi32>
        %convert_element_type3A_185 = arith.sitofp %unique3A_184 : vector<16xi32> to vector<16xf32>
        tpu.vector_store_idx %arg15[%get3A_181], %convert_element_type3A_185 masked %unique3A {add = true} : memref<1024xf32, #tpu.memory_space<vmem>>[vector<16xi32>], vector<16xf32>, vector<16xi1>
        %get3A_186 = arith.constant 16 : index
        %get3A_187 = tpu.vector_load %arg13[%get3A_186] {strides = array<i32>} : memref<128xi32, #tpu.memory_space<vmem>>, vector<16xi32>,
        %broadcast_in_dim3A_188 = arith.constant true
        %broadcast_in_dim3A_189 = vector.broadcast %broadcast_in_dim3A_188 : i1 to vector<16xi1>
        %unique3A_190, %unique3A_191 = tpu.scan_count mask(%broadcast_in_dim3A_189 : vector<16xi1>) value(%get3A_187 : vector<16xi32>) : vector<16xi1>, vector<16xi32>
        %convert_element_type3A_192 = arith.sitofp %unique3A_191 : vector<16xi32> to vector<16xf32>
        tpu.vector_store_idx %arg15[%get3A_187], %convert_element_type3A_192 masked %unique3A_190 {add = true} : memref<1024xf32, #tpu.memory_space<vmem>>[vector<16xi32>], vector<16xf32>, vector<16xi1>
        %get3A_193 = arith.constant 32 : index
        %get3A_194 = tpu.vector_load %arg13[%get3A_193] {strides = array<i32>} : memref<128xi32, #tpu.memory_space<vmem>>, vector<16xi32>,
        %broadcast_in_dim3A_195 = arith.constant true
        %broadcast_in_dim3A_196 = vector.broadcast %broadcast_in_dim3A_195 : i1 to vector<16xi1>
        %unique3A_197, %unique3A_198 = tpu.scan_count mask(%broadcast_in_dim3A_196 : vector<16xi1>) value(%get3A_194 : vector<16xi32>) : vector<16xi1>, vector<16xi32>
        %convert_element_type3A_199 = arith.sitofp %unique3A_198 : vector<16xi32> to vector<16xf32>
        tpu.vector_store_idx %arg15[%get3A_194], %convert_element_type3A_199 masked %unique3A_197 {add = true} : memref<1024xf32, #tpu.memory_space<vmem>>[vector<16xi32>], vector<16xf32>, vector<16xi1>
        %get3A_200 = arith.constant 48 : index
        %get3A_201 = tpu.vector_load %arg13[%get3A_200] {strides = array<i32>} : memref<128xi32, #tpu.memory_space<vmem>>, vector<16xi32>,
        %broadcast_in_dim3A_202 = arith.constant true
        %broadcast_in_dim3A_203 = vector.broadcast %broadcast_in_dim3A_202 : i1 to vector<16xi1>
        %unique3A_204, %unique3A_205 = tpu.scan_count mask(%broadcast_in_dim3A_203 : vector<16xi1>) value(%get3A_201 : vector<16xi32>) : vector<16xi1>, vector<16xi32>
        %convert_element_type3A_206 = arith.sitofp %unique3A_205 : vector<16xi32> to vector<16xf32>
        tpu.vector_store_idx %arg15[%get3A_201], %convert_element_type3A_206 masked %unique3A_204 {add = true} : memref<1024xf32, #tpu.memory_space<vmem>>[vector<16xi32>], vector<16xf32>, vector<16xi1>
        %get3A_207 = arith.constant 64 : index
        %get3A_208 = tpu.vector_load %arg13[%get3A_207] {strides = array<i32>} : memref<128xi32, #tpu.memory_space<vmem>>, vector<16xi32>,
        %broadcast_in_dim3A_209 = arith.constant true
        %broadcast_in_dim3A_210 = vector.broadcast %broadcast_in_dim3A_209 : i1 to vector<16xi1>
        %unique3A_211, %unique3A_212 = tpu.scan_count mask(%broadcast_in_dim3A_210 : vector<16xi1>) value(%get3A_208 : vector<16xi32>) : vector<16xi1>, vector<16xi32>
        %convert_element_type3A_213 = arith.sitofp %unique3A_212 : vector<16xi32> to vector<16xf32>
        tpu.vector_store_idx %arg15[%get3A_208], %convert_element_type3A_213 masked %unique3A_211 {add = true} : memref<1024xf32, #tpu.memory_space<vmem>>[vector<16xi32>], vector<16xf32>, vector<16xi1>
        %get3A_214 = arith.constant 80 : index
        %get3A_215 = tpu.vector_load %arg13[%get3A_214] {strides = array<i32>} : memref<128xi32, #tpu.memory_space<vmem>>, vector<16xi32>,
        %broadcast_in_dim3A_216 = arith.constant true
        %broadcast_in_dim3A_217 = vector.broadcast %broadcast_in_dim3A_216 : i1 to vector<16xi1>
        %unique3A_218, %unique3A_219 = tpu.scan_count mask(%broadcast_in_dim3A_217 : vector<16xi1>) value(%get3A_215 : vector<16xi32>) : vector<16xi1>, vector<16xi32>
        %convert_element_type3A_220 = arith.sitofp %unique3A_219 : vector<16xi32> to vector<16xf32>
        tpu.vector_store_idx %arg15[%get3A_215], %convert_element_type3A_220 masked %unique3A_218 {add = true} : memref<1024xf32, #tpu.memory_space<vmem>>[vector<16xi32>], vector<16xf32>, vector<16xi1>
        %get3A_221 = arith.constant 96 : index
        %get3A_222 = tpu.vector_load %arg13[%get3A_221] {strides = array<i32>} : memref<128xi32, #tpu.memory_space<vmem>>, vector<16xi32>,
        %broadcast_in_dim3A_223 = arith.constant true
        %broadcast_in_dim3A_224 = vector.broadcast %broadcast_in_dim3A_223 : i1 to vector<16xi1>
        %unique3A_225, %unique3A_226 = tpu.scan_count mask(%broadcast_in_dim3A_224 : vector<16xi1>) value(%get3A_222 : vector<16xi32>) : vector<16xi1>, vector<16xi32>
        %convert_element_type3A_227 = arith.sitofp %unique3A_226 : vector<16xi32> to vector<16xf32>
        tpu.vector_store_idx %arg15[%get3A_222], %convert_element_type3A_227 masked %unique3A_225 {add = true} : memref<1024xf32, #tpu.memory_space<vmem>>[vector<16xi32>], vector<16xf32>, vector<16xi1>
        %get3A_228 = arith.constant 112 : index
        %get3A_229 = tpu.vector_load %arg13[%get3A_228] {strides = array<i32>} : memref<128xi32, #tpu.memory_space<vmem>>, vector<16xi32>,
        %broadcast_in_dim3A_230 = arith.constant true
        %broadcast_in_dim3A_231 = vector.broadcast %broadcast_in_dim3A_230 : i1 to vector<16xi1>
        %unique3A_232, %unique3A_233 = tpu.scan_count mask(%broadcast_in_dim3A_231 : vector<16xi1>) value(%get3A_229 : vector<16xi32>) : vector<16xi1>, vector<16xi32>
        %convert_element_type3A_234 = arith.sitofp %unique3A_233 : vector<16xi32> to vector<16xf32>
        tpu.vector_store_idx %arg15[%get3A_229], %convert_element_type3A_234 masked %unique3A_232 {add = true} : memref<1024xf32, #tpu.memory_space<vmem>>[vector<16xi32>], vector<16xf32>, vector<16xi1>
      } else {
      }
      %mul3A_118 = arith.constant 4 : i32
      %mul3A_119 = arith.muli %mul3A_118, %while3A_101 : i32
      %add3A_120 = arith.constant 1 : i32
      %add3A_121 = arith.addi %mul3A_119, %add3A_120 : i32
      %lt3A_122 = arith.cmpi slt, %add3A_121, %add3A_32 : i32
      %convert_element_type3A_123 = arith.extui %lt3A_122 : i1 to i32
      %cond3A_124 = arith.constant 0 : i32
      %cond3A_125 = arith.cmpi ne, %convert_element_type3A_123, %cond3A_124 : i32
      scf.if %cond3A_125 {
        %ge3A_170 = arith.constant 4 : i32
        %ge3A_171 = arith.cmpi sge, %add3A_121, %ge3A_170 : i32
        %convert_element_type3A_172 = arith.extui %ge3A_171 : i1 to i32
        %cond3A_173 = arith.constant 0 : i32
        %cond3A_174 = arith.cmpi ne, %convert_element_type3A_172, %cond3A_173 : i32
        scf.if %cond3A_174 {
          %dma_wait3A = arith.constant 0 : i32
          %dma_wait3A_183 = arith.constant 0 : i32
          %dma_wait3A_184 = tpu.memref_slice %arg6[%dma_wait3A, %dma_wait3A_183] : memref<1024x128xf32, #tpu.memory_space<vmem_shared>> -> memref<1024x128xf32, #tpu.memory_space<vmem_shared>>
          tpu.wait_indirect_dma semaphore(%arg26 : memref<!tpu.dma_semaphore, #tpu.memory_space<semaphore_mem>>) src(%arg8 : memref<128x128xf32, #tpu.memory_space<vmem>>) dst(%dma_wait3A_184 : memref<1024x128xf32, #tpu.memory_space<vmem_shared>>)
        } else {
        }
        %add3A_175 = arith.addi %add3A_28, %add3A_121 : i32
        %mul3A_176 = arith.constant 128 : i32
        %mul3A_177 = arith.muli %add3A_175, %mul3A_176 : i32
        %dma_start3A = tpu.memref_slice %arg3[%mul3A_177] : memref<320000xi32, #tpu.memory_space<hbm>> -> memref<128xi32, #tpu.memory_space<hbm>>
        %dma_start3A_178 = tpu.memref_slice %arg3[%mul3A_177] : memref<320000xi32, #tpu.memory_space<hbm>> -> memref<128xi32, #tpu.memory_space<hbm>>
        tpu.enqueue_dma source(%dma_start3A_178 : memref<128xi32, #tpu.memory_space<hbm>>) target(%arg12 : memref<128xi32, #tpu.memory_space<vmem>>) target_semaphore(%arg22 : memref<!tpu.dma_semaphore, #tpu.memory_space<semaphore_mem>>)
        %dma_start3A_179 = arith.constant 0 : i32
        %dma_start3A_180 = tpu.memref_slice %arg2[%mul3A_177, %dma_start3A_179] : memref<320000x128xf32, #tpu.memory_space<hbm>> -> memref<128x128xf32, #tpu.memory_space<hbm>>
        %dma_start3A_181 = arith.constant 0 : i32
        %dma_start3A_182 = tpu.memref_slice %arg2[%mul3A_177, %dma_start3A_181] : memref<320000x128xf32, #tpu.memory_space<hbm>> -> memref<128x128xf32, #tpu.memory_space<hbm>>
        tpu.enqueue_dma source(%dma_start3A_182 : memref<128x128xf32, #tpu.memory_space<hbm>>) target(%arg8 : memref<128x128xf32, #tpu.memory_space<vmem>>) target_semaphore(%arg18 : memref<!tpu.dma_semaphore, #tpu.memory_space<semaphore_mem>>)
      } else {
      }
      %ge3A_126 = arith.constant 2 : i32
      %ge3A_127 = arith.cmpi sge, %add3A_121, %ge3A_126 : i32
      %add3A_128 = arith.constant 1 : i32
      %add3A_129 = arith.addi %add3A_32, %add3A_128 : i32
      %le3A_130 = arith.cmpi sle, %add3A_121, %add3A_129 : i32
      %and3A_131 = arith.andi %ge3A_127, %le3A_130 : i1
      %convert_element_type3A_132 = arith.extui %and3A_131 : i1 to i32
      %cond3A_133 = arith.constant 0 : i32
      %cond3A_134 = arith.cmpi ne, %convert_element_type3A_132, %cond3A_133 : i32
      scf.if %cond3A_134 {
        %dma_wait3A = arith.constant 0 : i32
        %dma_wait3A_170 = tpu.memref_slice %arg3[%dma_wait3A] : memref<320000xi32, #tpu.memory_space<hbm>> -> memref<128xi32, #tpu.memory_space<hbm>>
        %dma_wait3A_171 = arith.constant 0 : i32
        %dma_wait3A_172 = tpu.memref_slice %arg3[%dma_wait3A_171] : memref<320000xi32, #tpu.memory_space<hbm>> -> memref<128xi32, #tpu.memory_space<hbm>>
        tpu.wait_dma2 semaphore(%arg24 : memref<!tpu.dma_semaphore, #tpu.memory_space<semaphore_mem>>) src(%dma_wait3A_172 : memref<128xi32, #tpu.memory_space<hbm>>) dst(%arg14 : memref<128xi32, #tpu.memory_space<vmem>>)
        %dma_wait3A_173 = arith.constant 0 : i32
        %dma_wait3A_174 = arith.constant 0 : i32
        %dma_wait3A_175 = tpu.memref_slice %arg2[%dma_wait3A_173, %dma_wait3A_174] : memref<320000x128xf32, #tpu.memory_space<hbm>> -> memref<128x128xf32, #tpu.memory_space<hbm>>
        %dma_wait3A_176 = arith.constant 0 : i32
        %dma_wait3A_177 = arith.constant 0 : i32
        %dma_wait3A_178 = tpu.memref_slice %arg2[%dma_wait3A_176, %dma_wait3A_177] : memref<320000x128xf32, #tpu.memory_space<hbm>> -> memref<128x128xf32, #tpu.memory_space<hbm>>
        tpu.wait_dma2 semaphore(%arg20 : memref<!tpu.dma_semaphore, #tpu.memory_space<semaphore_mem>>) src(%dma_wait3A_178 : memref<128x128xf32, #tpu.memory_space<hbm>>) dst(%arg10 : memref<128x128xf32, #tpu.memory_space<vmem>>)
        %dma_start3A = arith.constant 0 : i32
        %dma_start3A_179 = arith.constant 0 : i32
        %dma_start3A_180 = tpu.memref_slice %arg6[%dma_start3A, %dma_start3A_179] : memref<1024x128xf32, #tpu.memory_space<vmem_shared>> -> memref<1024x128xf32, #tpu.memory_space<vmem_shared>>
        tpu.enqueue_indirect_dma source(%arg10 : memref<128x128xf32, #tpu.memory_space<vmem>>) target(%dma_start3A_180 : memref<1024x128xf32, #tpu.memory_space<vmem_shared>>) offsets(%arg14 : memref<128xi32, #tpu.memory_space<vmem>>) semaphore(%arg28 : memref<!tpu.dma_semaphore, #tpu.memory_space<semaphore_mem>>) {add = true}
        %get3A = arith.constant 0 : index
        %get3A_181 = tpu.vector_load %arg14[%get3A] {strides = array<i32>} : memref<128xi32, #tpu.memory_space<vmem>>, vector<16xi32>,
        %broadcast_in_dim3A_182 = arith.constant true
        %broadcast_in_dim3A_183 = vector.broadcast %broadcast_in_dim3A_182 : i1 to vector<16xi1>
        %unique3A, %unique3A_184 = tpu.scan_count mask(%broadcast_in_dim3A_183 : vector<16xi1>) value(%get3A_181 : vector<16xi32>) : vector<16xi1>, vector<16xi32>
        %convert_element_type3A_185 = arith.sitofp %unique3A_184 : vector<16xi32> to vector<16xf32>
        tpu.vector_store_idx %arg15[%get3A_181], %convert_element_type3A_185 masked %unique3A {add = true} : memref<1024xf32, #tpu.memory_space<vmem>>[vector<16xi32>], vector<16xf32>, vector<16xi1>
        %get3A_186 = arith.constant 16 : index
        %get3A_187 = tpu.vector_load %arg14[%get3A_186] {strides = array<i32>} : memref<128xi32, #tpu.memory_space<vmem>>, vector<16xi32>,
        %broadcast_in_dim3A_188 = arith.constant true
        %broadcast_in_dim3A_189 = vector.broadcast %broadcast_in_dim3A_188 : i1 to vector<16xi1>
        %unique3A_190, %unique3A_191 = tpu.scan_count mask(%broadcast_in_dim3A_189 : vector<16xi1>) value(%get3A_187 : vector<16xi32>) : vector<16xi1>, vector<16xi32>
        %convert_element_type3A_192 = arith.sitofp %unique3A_191 : vector<16xi32> to vector<16xf32>
        tpu.vector_store_idx %arg15[%get3A_187], %convert_element_type3A_192 masked %unique3A_190 {add = true} : memref<1024xf32, #tpu.memory_space<vmem>>[vector<16xi32>], vector<16xf32>, vector<16xi1>
        %get3A_193 = arith.constant 32 : index
        %get3A_194 = tpu.vector_load %arg14[%get3A_193] {strides = array<i32>} : memref<128xi32, #tpu.memory_space<vmem>>, vector<16xi32>,
        %broadcast_in_dim3A_195 = arith.constant true
        %broadcast_in_dim3A_196 = vector.broadcast %broadcast_in_dim3A_195 : i1 to vector<16xi1>
        %unique3A_197, %unique3A_198 = tpu.scan_count mask(%broadcast_in_dim3A_196 : vector<16xi1>) value(%get3A_194 : vector<16xi32>) : vector<16xi1>, vector<16xi32>
        %convert_element_type3A_199 = arith.sitofp %unique3A_198 : vector<16xi32> to vector<16xf32>
        tpu.vector_store_idx %arg15[%get3A_194], %convert_element_type3A_199 masked %unique3A_197 {add = true} : memref<1024xf32, #tpu.memory_space<vmem>>[vector<16xi32>], vector<16xf32>, vector<16xi1>
        %get3A_200 = arith.constant 48 : index
        %get3A_201 = tpu.vector_load %arg14[%get3A_200] {strides = array<i32>} : memref<128xi32, #tpu.memory_space<vmem>>, vector<16xi32>,
        %broadcast_in_dim3A_202 = arith.constant true
        %broadcast_in_dim3A_203 = vector.broadcast %broadcast_in_dim3A_202 : i1 to vector<16xi1>
        %unique3A_204, %unique3A_205 = tpu.scan_count mask(%broadcast_in_dim3A_203 : vector<16xi1>) value(%get3A_201 : vector<16xi32>) : vector<16xi1>, vector<16xi32>
        %convert_element_type3A_206 = arith.sitofp %unique3A_205 : vector<16xi32> to vector<16xf32>
        tpu.vector_store_idx %arg15[%get3A_201], %convert_element_type3A_206 masked %unique3A_204 {add = true} : memref<1024xf32, #tpu.memory_space<vmem>>[vector<16xi32>], vector<16xf32>, vector<16xi1>
        %get3A_207 = arith.constant 64 : index
        %get3A_208 = tpu.vector_load %arg14[%get3A_207] {strides = array<i32>} : memref<128xi32, #tpu.memory_space<vmem>>, vector<16xi32>,
        %broadcast_in_dim3A_209 = arith.constant true
        %broadcast_in_dim3A_210 = vector.broadcast %broadcast_in_dim3A_209 : i1 to vector<16xi1>
        %unique3A_211, %unique3A_212 = tpu.scan_count mask(%broadcast_in_dim3A_210 : vector<16xi1>) value(%get3A_208 : vector<16xi32>) : vector<16xi1>, vector<16xi32>
        %convert_element_type3A_213 = arith.sitofp %unique3A_212 : vector<16xi32> to vector<16xf32>
        tpu.vector_store_idx %arg15[%get3A_208], %convert_element_type3A_213 masked %unique3A_211 {add = true} : memref<1024xf32, #tpu.memory_space<vmem>>[vector<16xi32>], vector<16xf32>, vector<16xi1>
        %get3A_214 = arith.constant 80 : index
        %get3A_215 = tpu.vector_load %arg14[%get3A_214] {strides = array<i32>} : memref<128xi32, #tpu.memory_space<vmem>>, vector<16xi32>,
        %broadcast_in_dim3A_216 = arith.constant true
        %broadcast_in_dim3A_217 = vector.broadcast %broadcast_in_dim3A_216 : i1 to vector<16xi1>
        %unique3A_218, %unique3A_219 = tpu.scan_count mask(%broadcast_in_dim3A_217 : vector<16xi1>) value(%get3A_215 : vector<16xi32>) : vector<16xi1>, vector<16xi32>
        %convert_element_type3A_220 = arith.sitofp %unique3A_219 : vector<16xi32> to vector<16xf32>
        tpu.vector_store_idx %arg15[%get3A_215], %convert_element_type3A_220 masked %unique3A_218 {add = true} : memref<1024xf32, #tpu.memory_space<vmem>>[vector<16xi32>], vector<16xf32>, vector<16xi1>
        %get3A_221 = arith.constant 96 : index
        %get3A_222 = tpu.vector_load %arg14[%get3A_221] {strides = array<i32>} : memref<128xi32, #tpu.memory_space<vmem>>, vector<16xi32>,
        %broadcast_in_dim3A_223 = arith.constant true
        %broadcast_in_dim3A_224 = vector.broadcast %broadcast_in_dim3A_223 : i1 to vector<16xi1>
        %unique3A_225, %unique3A_226 = tpu.scan_count mask(%broadcast_in_dim3A_224 : vector<16xi1>) value(%get3A_222 : vector<16xi32>) : vector<16xi1>, vector<16xi32>
        %convert_element_type3A_227 = arith.sitofp %unique3A_226 : vector<16xi32> to vector<16xf32>
        tpu.vector_store_idx %arg15[%get3A_222], %convert_element_type3A_227 masked %unique3A_225 {add = true} : memref<1024xf32, #tpu.memory_space<vmem>>[vector<16xi32>], vector<16xf32>, vector<16xi1>
        %get3A_228 = arith.constant 112 : index
        %get3A_229 = tpu.vector_load %arg14[%get3A_228] {strides = array<i32>} : memref<128xi32, #tpu.memory_space<vmem>>, vector<16xi32>,
        %broadcast_in_dim3A_230 = arith.constant true
        %broadcast_in_dim3A_231 = vector.broadcast %broadcast_in_dim3A_230 : i1 to vector<16xi1>
        %unique3A_232, %unique3A_233 = tpu.scan_count mask(%broadcast_in_dim3A_231 : vector<16xi1>) value(%get3A_229 : vector<16xi32>) : vector<16xi1>, vector<16xi32>
        %convert_element_type3A_234 = arith.sitofp %unique3A_233 : vector<16xi32> to vector<16xf32>
        tpu.vector_store_idx %arg15[%get3A_229], %convert_element_type3A_234 masked %unique3A_232 {add = true} : memref<1024xf32, #tpu.memory_space<vmem>>[vector<16xi32>], vector<16xf32>, vector<16xi1>
      } else {
      }
      %mul3A_135 = arith.constant 4 : i32
      %mul3A_136 = arith.muli %mul3A_135, %while3A_101 : i32
      %add3A_137 = arith.constant 2 : i32
      %add3A_138 = arith.addi %mul3A_136, %add3A_137 : i32
      %lt3A_139 = arith.cmpi slt, %add3A_138, %add3A_32 : i32
      %convert_element_type3A_140 = arith.extui %lt3A_139 : i1 to i32
      %cond3A_141 = arith.constant 0 : i32
      %cond3A_142 = arith.cmpi ne, %convert_element_type3A_140, %cond3A_141 : i32
      scf.if %cond3A_142 {
        %ge3A_170 = arith.constant 4 : i32
        %ge3A_171 = arith.cmpi sge, %add3A_138, %ge3A_170 : i32
        %convert_element_type3A_172 = arith.extui %ge3A_171 : i1 to i32
        %cond3A_173 = arith.constant 0 : i32
        %cond3A_174 = arith.cmpi ne, %convert_element_type3A_172, %cond3A_173 : i32
        scf.if %cond3A_174 {
          %dma_wait3A = arith.constant 0 : i32
          %dma_wait3A_183 = arith.constant 0 : i32
          %dma_wait3A_184 = tpu.memref_slice %arg6[%dma_wait3A, %dma_wait3A_183] : memref<1024x128xf32, #tpu.memory_space<vmem_shared>> -> memref<1024x128xf32, #tpu.memory_space<vmem_shared>>
          tpu.wait_indirect_dma semaphore(%arg27 : memref<!tpu.dma_semaphore, #tpu.memory_space<semaphore_mem>>) src(%arg9 : memref<128x128xf32, #tpu.memory_space<vmem>>) dst(%dma_wait3A_184 : memref<1024x128xf32, #tpu.memory_space<vmem_shared>>)
        } else {
        }
        %add3A_175 = arith.addi %add3A_28, %add3A_138 : i32
        %mul3A_176 = arith.constant 128 : i32
        %mul3A_177 = arith.muli %add3A_175, %mul3A_176 : i32
        %dma_start3A = tpu.memref_slice %arg3[%mul3A_177] : memref<320000xi32, #tpu.memory_space<hbm>> -> memref<128xi32, #tpu.memory_space<hbm>>
        %dma_start3A_178 = tpu.memref_slice %arg3[%mul3A_177] : memref<320000xi32, #tpu.memory_space<hbm>> -> memref<128xi32, #tpu.memory_space<hbm>>
        tpu.enqueue_dma source(%dma_start3A_178 : memref<128xi32, #tpu.memory_space<hbm>>) target(%arg13 : memref<128xi32, #tpu.memory_space<vmem>>) target_semaphore(%arg23 : memref<!tpu.dma_semaphore, #tpu.memory_space<semaphore_mem>>)
        %dma_start3A_179 = arith.constant 0 : i32
        %dma_start3A_180 = tpu.memref_slice %arg2[%mul3A_177, %dma_start3A_179] : memref<320000x128xf32, #tpu.memory_space<hbm>> -> memref<128x128xf32, #tpu.memory_space<hbm>>
        %dma_start3A_181 = arith.constant 0 : i32
        %dma_start3A_182 = tpu.memref_slice %arg2[%mul3A_177, %dma_start3A_181] : memref<320000x128xf32, #tpu.memory_space<hbm>> -> memref<128x128xf32, #tpu.memory_space<hbm>>
        tpu.enqueue_dma source(%dma_start3A_182 : memref<128x128xf32, #tpu.memory_space<hbm>>) target(%arg9 : memref<128x128xf32, #tpu.memory_space<vmem>>) target_semaphore(%arg19 : memref<!tpu.dma_semaphore, #tpu.memory_space<semaphore_mem>>)
      } else {
      }
      %ge3A_143 = arith.constant 2 : i32
      %ge3A_144 = arith.cmpi sge, %add3A_138, %ge3A_143 : i32
      %add3A_145 = arith.constant 1 : i32
      %add3A_146 = arith.addi %add3A_32, %add3A_145 : i32
      %le3A_147 = arith.cmpi sle, %add3A_138, %add3A_146 : i32
      %and3A_148 = arith.andi %ge3A_144, %le3A_147 : i1
      %convert_element_type3A_149 = arith.extui %and3A_148 : i1 to i32
      %cond3A_150 = arith.constant 0 : i32
      %cond3A_151 = arith.cmpi ne, %convert_element_type3A_149, %cond3A_150 : i32
      scf.if %cond3A_151 {
        %dma_wait3A = arith.constant 0 : i32
        %dma_wait3A_170 = tpu.memref_slice %arg3[%dma_wait3A] : memref<320000xi32, #tpu.memory_space<hbm>> -> memref<128xi32, #tpu.memory_space<hbm>>
        %dma_wait3A_171 = arith.constant 0 : i32
        %dma_wait3A_172 = tpu.memref_slice %arg3[%dma_wait3A_171] : memref<320000xi32, #tpu.memory_space<hbm>> -> memref<128xi32, #tpu.memory_space<hbm>>
        tpu.wait_dma2 semaphore(%arg21 : memref<!tpu.dma_semaphore, #tpu.memory_space<semaphore_mem>>) src(%dma_wait3A_172 : memref<128xi32, #tpu.memory_space<hbm>>) dst(%arg11 : memref<128xi32, #tpu.memory_space<vmem>>)
        %dma_wait3A_173 = arith.constant 0 : i32
        %dma_wait3A_174 = arith.constant 0 : i32
        %dma_wait3A_175 = tpu.memref_slice %arg2[%dma_wait3A_173, %dma_wait3A_174] : memref<320000x128xf32, #tpu.memory_space<hbm>> -> memref<128x128xf32, #tpu.memory_space<hbm>>
        %dma_wait3A_176 = arith.constant 0 : i32
        %dma_wait3A_177 = arith.constant 0 : i32
        %dma_wait3A_178 = tpu.memref_slice %arg2[%dma_wait3A_176, %dma_wait3A_177] : memref<320000x128xf32, #tpu.memory_space<hbm>> -> memref<128x128xf32, #tpu.memory_space<hbm>>
        tpu.wait_dma2 semaphore(%arg17 : memref<!tpu.dma_semaphore, #tpu.memory_space<semaphore_mem>>) src(%dma_wait3A_178 : memref<128x128xf32, #tpu.memory_space<hbm>>) dst(%arg7 : memref<128x128xf32, #tpu.memory_space<vmem>>)
        %dma_start3A = arith.constant 0 : i32
        %dma_start3A_179 = arith.constant 0 : i32
        %dma_start3A_180 = tpu.memref_slice %arg6[%dma_start3A, %dma_start3A_179] : memref<1024x128xf32, #tpu.memory_space<vmem_shared>> -> memref<1024x128xf32, #tpu.memory_space<vmem_shared>>
        tpu.enqueue_indirect_dma source(%arg7 : memref<128x128xf32, #tpu.memory_space<vmem>>) target(%dma_start3A_180 : memref<1024x128xf32, #tpu.memory_space<vmem_shared>>) offsets(%arg11 : memref<128xi32, #tpu.memory_space<vmem>>) semaphore(%arg25 : memref<!tpu.dma_semaphore, #tpu.memory_space<semaphore_mem>>) {add = true}
        %get3A = arith.constant 0 : index
        %get3A_181 = tpu.vector_load %arg11[%get3A] {strides = array<i32>} : memref<128xi32, #tpu.memory_space<vmem>>, vector<16xi32>,
        %broadcast_in_dim3A_182 = arith.constant true
        %broadcast_in_dim3A_183 = vector.broadcast %broadcast_in_dim3A_182 : i1 to vector<16xi1>
        %unique3A, %unique3A_184 = tpu.scan_count mask(%broadcast_in_dim3A_183 : vector<16xi1>) value(%get3A_181 : vector<16xi32>) : vector<16xi1>, vector<16xi32>
        %convert_element_type3A_185 = arith.sitofp %unique3A_184 : vector<16xi32> to vector<16xf32>
        tpu.vector_store_idx %arg15[%get3A_181], %convert_element_type3A_185 masked %unique3A {add = true} : memref<1024xf32, #tpu.memory_space<vmem>>[vector<16xi32>], vector<16xf32>, vector<16xi1>
        %get3A_186 = arith.constant 16 : index
        %get3A_187 = tpu.vector_load %arg11[%get3A_186] {strides = array<i32>} : memref<128xi32, #tpu.memory_space<vmem>>, vector<16xi32>,
        %broadcast_in_dim3A_188 = arith.constant true
        %broadcast_in_dim3A_189 = vector.broadcast %broadcast_in_dim3A_188 : i1 to vector<16xi1>
        %unique3A_190, %unique3A_191 = tpu.scan_count mask(%broadcast_in_dim3A_189 : vector<16xi1>) value(%get3A_187 : vector<16xi32>) : vector<16xi1>, vector<16xi32>
        %convert_element_type3A_192 = arith.sitofp %unique3A_191 : vector<16xi32> to vector<16xf32>
        tpu.vector_store_idx %arg15[%get3A_187], %convert_element_type3A_192 masked %unique3A_190 {add = true} : memref<1024xf32, #tpu.memory_space<vmem>>[vector<16xi32>], vector<16xf32>, vector<16xi1>
        %get3A_193 = arith.constant 32 : index
        %get3A_194 = tpu.vector_load %arg11[%get3A_193] {strides = array<i32>} : memref<128xi32, #tpu.memory_space<vmem>>, vector<16xi32>,
        %broadcast_in_dim3A_195 = arith.constant true
        %broadcast_in_dim3A_196 = vector.broadcast %broadcast_in_dim3A_195 : i1 to vector<16xi1>
        %unique3A_197, %unique3A_198 = tpu.scan_count mask(%broadcast_in_dim3A_196 : vector<16xi1>) value(%get3A_194 : vector<16xi32>) : vector<16xi1>, vector<16xi32>
        %convert_element_type3A_199 = arith.sitofp %unique3A_198 : vector<16xi32> to vector<16xf32>
        tpu.vector_store_idx %arg15[%get3A_194], %convert_element_type3A_199 masked %unique3A_197 {add = true} : memref<1024xf32, #tpu.memory_space<vmem>>[vector<16xi32>], vector<16xf32>, vector<16xi1>
        %get3A_200 = arith.constant 48 : index
        %get3A_201 = tpu.vector_load %arg11[%get3A_200] {strides = array<i32>} : memref<128xi32, #tpu.memory_space<vmem>>, vector<16xi32>,
        %broadcast_in_dim3A_202 = arith.constant true
        %broadcast_in_dim3A_203 = vector.broadcast %broadcast_in_dim3A_202 : i1 to vector<16xi1>
        %unique3A_204, %unique3A_205 = tpu.scan_count mask(%broadcast_in_dim3A_203 : vector<16xi1>) value(%get3A_201 : vector<16xi32>) : vector<16xi1>, vector<16xi32>
        %convert_element_type3A_206 = arith.sitofp %unique3A_205 : vector<16xi32> to vector<16xf32>
        tpu.vector_store_idx %arg15[%get3A_201], %convert_element_type3A_206 masked %unique3A_204 {add = true} : memref<1024xf32, #tpu.memory_space<vmem>>[vector<16xi32>], vector<16xf32>, vector<16xi1>
        %get3A_207 = arith.constant 64 : index
        %get3A_208 = tpu.vector_load %arg11[%get3A_207] {strides = array<i32>} : memref<128xi32, #tpu.memory_space<vmem>>, vector<16xi32>,
        %broadcast_in_dim3A_209 = arith.constant true
        %broadcast_in_dim3A_210 = vector.broadcast %broadcast_in_dim3A_209 : i1 to vector<16xi1>
        %unique3A_211, %unique3A_212 = tpu.scan_count mask(%broadcast_in_dim3A_210 : vector<16xi1>) value(%get3A_208 : vector<16xi32>) : vector<16xi1>, vector<16xi32>
        %convert_element_type3A_213 = arith.sitofp %unique3A_212 : vector<16xi32> to vector<16xf32>
        tpu.vector_store_idx %arg15[%get3A_208], %convert_element_type3A_213 masked %unique3A_211 {add = true} : memref<1024xf32, #tpu.memory_space<vmem>>[vector<16xi32>], vector<16xf32>, vector<16xi1>
        %get3A_214 = arith.constant 80 : index
        %get3A_215 = tpu.vector_load %arg11[%get3A_214] {strides = array<i32>} : memref<128xi32, #tpu.memory_space<vmem>>, vector<16xi32>,
        %broadcast_in_dim3A_216 = arith.constant true
        %broadcast_in_dim3A_217 = vector.broadcast %broadcast_in_dim3A_216 : i1 to vector<16xi1>
        %unique3A_218, %unique3A_219 = tpu.scan_count mask(%broadcast_in_dim3A_217 : vector<16xi1>) value(%get3A_215 : vector<16xi32>) : vector<16xi1>, vector<16xi32>
        %convert_element_type3A_220 = arith.sitofp %unique3A_219 : vector<16xi32> to vector<16xf32>
        tpu.vector_store_idx %arg15[%get3A_215], %convert_element_type3A_220 masked %unique3A_218 {add = true} : memref<1024xf32, #tpu.memory_space<vmem>>[vector<16xi32>], vector<16xf32>, vector<16xi1>
        %get3A_221 = arith.constant 96 : index
        %get3A_222 = tpu.vector_load %arg11[%get3A_221] {strides = array<i32>} : memref<128xi32, #tpu.memory_space<vmem>>, vector<16xi32>,
        %broadcast_in_dim3A_223 = arith.constant true
        %broadcast_in_dim3A_224 = vector.broadcast %broadcast_in_dim3A_223 : i1 to vector<16xi1>
        %unique3A_225, %unique3A_226 = tpu.scan_count mask(%broadcast_in_dim3A_224 : vector<16xi1>) value(%get3A_222 : vector<16xi32>) : vector<16xi1>, vector<16xi32>
        %convert_element_type3A_227 = arith.sitofp %unique3A_226 : vector<16xi32> to vector<16xf32>
        tpu.vector_store_idx %arg15[%get3A_222], %convert_element_type3A_227 masked %unique3A_225 {add = true} : memref<1024xf32, #tpu.memory_space<vmem>>[vector<16xi32>], vector<16xf32>, vector<16xi1>
        %get3A_228 = arith.constant 112 : index
        %get3A_229 = tpu.vector_load %arg11[%get3A_228] {strides = array<i32>} : memref<128xi32, #tpu.memory_space<vmem>>, vector<16xi32>,
        %broadcast_in_dim3A_230 = arith.constant true
        %broadcast_in_dim3A_231 = vector.broadcast %broadcast_in_dim3A_230 : i1 to vector<16xi1>
        %unique3A_232, %unique3A_233 = tpu.scan_count mask(%broadcast_in_dim3A_231 : vector<16xi1>) value(%get3A_229 : vector<16xi32>) : vector<16xi1>, vector<16xi32>
        %convert_element_type3A_234 = arith.sitofp %unique3A_233 : vector<16xi32> to vector<16xf32>
        tpu.vector_store_idx %arg15[%get3A_229], %convert_element_type3A_234 masked %unique3A_232 {add = true} : memref<1024xf32, #tpu.memory_space<vmem>>[vector<16xi32>], vector<16xf32>, vector<16xi1>
      } else {
      }
      %mul3A_152 = arith.constant 4 : i32
      %mul3A_153 = arith.muli %mul3A_152, %while3A_101 : i32
      %add3A_154 = arith.constant 3 : i32
      %add3A_155 = arith.addi %mul3A_153, %add3A_154 : i32
      %lt3A_156 = arith.cmpi slt, %add3A_155, %add3A_32 : i32
      %convert_element_type3A_157 = arith.extui %lt3A_156 : i1 to i32
      %cond3A_158 = arith.constant 0 : i32
      %cond3A_159 = arith.cmpi ne, %convert_element_type3A_157, %cond3A_158 : i32
      scf.if %cond3A_159 {
        %ge3A_170 = arith.constant 4 : i32
        %ge3A_171 = arith.cmpi sge, %add3A_155, %ge3A_170 : i32
        %convert_element_type3A_172 = arith.extui %ge3A_171 : i1 to i32
        %cond3A_173 = arith.constant 0 : i32
        %cond3A_174 = arith.cmpi ne, %convert_element_type3A_172, %cond3A_173 : i32
        scf.if %cond3A_174 {
          %dma_wait3A = arith.constant 0 : i32
          %dma_wait3A_183 = arith.constant 0 : i32
          %dma_wait3A_184 = tpu.memref_slice %arg6[%dma_wait3A, %dma_wait3A_183] : memref<1024x128xf32, #tpu.memory_space<vmem_shared>> -> memref<1024x128xf32, #tpu.memory_space<vmem_shared>>
          tpu.wait_indirect_dma semaphore(%arg28 : memref<!tpu.dma_semaphore, #tpu.memory_space<semaphore_mem>>) src(%arg10 : memref<128x128xf32, #tpu.memory_space<vmem>>) dst(%dma_wait3A_184 : memref<1024x128xf32, #tpu.memory_space<vmem_shared>>)
        } else {
        }
        %add3A_175 = arith.addi %add3A_28, %add3A_155 : i32
        %mul3A_176 = arith.constant 128 : i32
        %mul3A_177 = arith.muli %add3A_175, %mul3A_176 : i32
        %dma_start3A = tpu.memref_slice %arg3[%mul3A_177] : memref<320000xi32, #tpu.memory_space<hbm>> -> memref<128xi32, #tpu.memory_space<hbm>>
        %dma_start3A_178 = tpu.memref_slice %arg3[%mul3A_177] : memref<320000xi32, #tpu.memory_space<hbm>> -> memref<128xi32, #tpu.memory_space<hbm>>
        tpu.enqueue_dma source(%dma_start3A_178 : memref<128xi32, #tpu.memory_space<hbm>>) target(%arg14 : memref<128xi32, #tpu.memory_space<vmem>>) target_semaphore(%arg24 : memref<!tpu.dma_semaphore, #tpu.memory_space<semaphore_mem>>)
        %dma_start3A_179 = arith.constant 0 : i32
        %dma_start3A_180 = tpu.memref_slice %arg2[%mul3A_177, %dma_start3A_179] : memref<320000x128xf32, #tpu.memory_space<hbm>> -> memref<128x128xf32, #tpu.memory_space<hbm>>
        %dma_start3A_181 = arith.constant 0 : i32
        %dma_start3A_182 = tpu.memref_slice %arg2[%mul3A_177, %dma_start3A_181] : memref<320000x128xf32, #tpu.memory_space<hbm>> -> memref<128x128xf32, #tpu.memory_space<hbm>>
        tpu.enqueue_dma source(%dma_start3A_182 : memref<128x128xf32, #tpu.memory_space<hbm>>) target(%arg10 : memref<128x128xf32, #tpu.memory_space<vmem>>) target_semaphore(%arg20 : memref<!tpu.dma_semaphore, #tpu.memory_space<semaphore_mem>>)
      } else {
      }
      %ge3A_160 = arith.constant 2 : i32
      %ge3A_161 = arith.cmpi sge, %add3A_155, %ge3A_160 : i32
      %add3A_162 = arith.constant 1 : i32
      %add3A_163 = arith.addi %add3A_32, %add3A_162 : i32
      %le3A_164 = arith.cmpi sle, %add3A_155, %add3A_163 : i32
      %and3A_165 = arith.andi %ge3A_161, %le3A_164 : i1
      %convert_element_type3A_166 = arith.extui %and3A_165 : i1 to i32
      %cond3A_167 = arith.constant 0 : i32
      %cond3A_168 = arith.cmpi ne, %convert_element_type3A_166, %cond3A_167 : i32
      scf.if %cond3A_168 {
        %dma_wait3A = arith.constant 0 : i32
        %dma_wait3A_170 = tpu.memref_slice %arg3[%dma_wait3A] : memref<320000xi32, #tpu.memory_space<hbm>> -> memref<128xi32, #tpu.memory_space<hbm>>
        %dma_wait3A_171 = arith.constant 0 : i32
        %dma_wait3A_172 = tpu.memref_slice %arg3[%dma_wait3A_171] : memref<320000xi32, #tpu.memory_space<hbm>> -> memref<128xi32, #tpu.memory_space<hbm>>
        tpu.wait_dma2 semaphore(%arg22 : memref<!tpu.dma_semaphore, #tpu.memory_space<semaphore_mem>>) src(%dma_wait3A_172 : memref<128xi32, #tpu.memory_space<hbm>>) dst(%arg12 : memref<128xi32, #tpu.memory_space<vmem>>)
        %dma_wait3A_173 = arith.constant 0 : i32
        %dma_wait3A_174 = arith.constant 0 : i32
        %dma_wait3A_175 = tpu.memref_slice %arg2[%dma_wait3A_173, %dma_wait3A_174] : memref<320000x128xf32, #tpu.memory_space<hbm>> -> memref<128x128xf32, #tpu.memory_space<hbm>>
        %dma_wait3A_176 = arith.constant 0 : i32
        %dma_wait3A_177 = arith.constant 0 : i32
        %dma_wait3A_178 = tpu.memref_slice %arg2[%dma_wait3A_176, %dma_wait3A_177] : memref<320000x128xf32, #tpu.memory_space<hbm>> -> memref<128x128xf32, #tpu.memory_space<hbm>>
        tpu.wait_dma2 semaphore(%arg18 : memref<!tpu.dma_semaphore, #tpu.memory_space<semaphore_mem>>) src(%dma_wait3A_178 : memref<128x128xf32, #tpu.memory_space<hbm>>) dst(%arg8 : memref<128x128xf32, #tpu.memory_space<vmem>>)
        %dma_start3A = arith.constant 0 : i32
        %dma_start3A_179 = arith.constant 0 : i32
        %dma_start3A_180 = tpu.memref_slice %arg6[%dma_start3A, %dma_start3A_179] : memref<1024x128xf32, #tpu.memory_space<vmem_shared>> -> memref<1024x128xf32, #tpu.memory_space<vmem_shared>>
        tpu.enqueue_indirect_dma source(%arg8 : memref<128x128xf32, #tpu.memory_space<vmem>>) target(%dma_start3A_180 : memref<1024x128xf32, #tpu.memory_space<vmem_shared>>) offsets(%arg12 : memref<128xi32, #tpu.memory_space<vmem>>) semaphore(%arg26 : memref<!tpu.dma_semaphore, #tpu.memory_space<semaphore_mem>>) {add = true}
        %get3A = arith.constant 0 : index
        %get3A_181 = tpu.vector_load %arg12[%get3A] {strides = array<i32>} : memref<128xi32, #tpu.memory_space<vmem>>, vector<16xi32>,
        %broadcast_in_dim3A_182 = arith.constant true
        %broadcast_in_dim3A_183 = vector.broadcast %broadcast_in_dim3A_182 : i1 to vector<16xi1>
        %unique3A, %unique3A_184 = tpu.scan_count mask(%broadcast_in_dim3A_183 : vector<16xi1>) value(%get3A_181 : vector<16xi32>) : vector<16xi1>, vector<16xi32>
        %convert_element_type3A_185 = arith.sitofp %unique3A_184 : vector<16xi32> to vector<16xf32>
        tpu.vector_store_idx %arg15[%get3A_181], %convert_element_type3A_185 masked %unique3A {add = true} : memref<1024xf32, #tpu.memory_space<vmem>>[vector<16xi32>], vector<16xf32>, vector<16xi1>
        %get3A_186 = arith.constant 16 : index
        %get3A_187 = tpu.vector_load %arg12[%get3A_186] {strides = array<i32>} : memref<128xi32, #tpu.memory_space<vmem>>, vector<16xi32>,
        %broadcast_in_dim3A_188 = arith.constant true
        %broadcast_in_dim3A_189 = vector.broadcast %broadcast_in_dim3A_188 : i1 to vector<16xi1>
        %unique3A_190, %unique3A_191 = tpu.scan_count mask(%broadcast_in_dim3A_189 : vector<16xi1>) value(%get3A_187 : vector<16xi32>) : vector<16xi1>, vector<16xi32>
        %convert_element_type3A_192 = arith.sitofp %unique3A_191 : vector<16xi32> to vector<16xf32>
        tpu.vector_store_idx %arg15[%get3A_187], %convert_element_type3A_192 masked %unique3A_190 {add = true} : memref<1024xf32, #tpu.memory_space<vmem>>[vector<16xi32>], vector<16xf32>, vector<16xi1>
        %get3A_193 = arith.constant 32 : index
        %get3A_194 = tpu.vector_load %arg12[%get3A_193] {strides = array<i32>} : memref<128xi32, #tpu.memory_space<vmem>>, vector<16xi32>,
        %broadcast_in_dim3A_195 = arith.constant true
        %broadcast_in_dim3A_196 = vector.broadcast %broadcast_in_dim3A_195 : i1 to vector<16xi1>
        %unique3A_197, %unique3A_198 = tpu.scan_count mask(%broadcast_in_dim3A_196 : vector<16xi1>) value(%get3A_194 : vector<16xi32>) : vector<16xi1>, vector<16xi32>
        %convert_element_type3A_199 = arith.sitofp %unique3A_198 : vector<16xi32> to vector<16xf32>
        tpu.vector_store_idx %arg15[%get3A_194], %convert_element_type3A_199 masked %unique3A_197 {add = true} : memref<1024xf32, #tpu.memory_space<vmem>>[vector<16xi32>], vector<16xf32>, vector<16xi1>
        %get3A_200 = arith.constant 48 : index
        %get3A_201 = tpu.vector_load %arg12[%get3A_200] {strides = array<i32>} : memref<128xi32, #tpu.memory_space<vmem>>, vector<16xi32>,
        %broadcast_in_dim3A_202 = arith.constant true
        %broadcast_in_dim3A_203 = vector.broadcast %broadcast_in_dim3A_202 : i1 to vector<16xi1>
        %unique3A_204, %unique3A_205 = tpu.scan_count mask(%broadcast_in_dim3A_203 : vector<16xi1>) value(%get3A_201 : vector<16xi32>) : vector<16xi1>, vector<16xi32>
        %convert_element_type3A_206 = arith.sitofp %unique3A_205 : vector<16xi32> to vector<16xf32>
        tpu.vector_store_idx %arg15[%get3A_201], %convert_element_type3A_206 masked %unique3A_204 {add = true} : memref<1024xf32, #tpu.memory_space<vmem>>[vector<16xi32>], vector<16xf32>, vector<16xi1>
        %get3A_207 = arith.constant 64 : index
        %get3A_208 = tpu.vector_load %arg12[%get3A_207] {strides = array<i32>} : memref<128xi32, #tpu.memory_space<vmem>>, vector<16xi32>,
        %broadcast_in_dim3A_209 = arith.constant true
        %broadcast_in_dim3A_210 = vector.broadcast %broadcast_in_dim3A_209 : i1 to vector<16xi1>
        %unique3A_211, %unique3A_212 = tpu.scan_count mask(%broadcast_in_dim3A_210 : vector<16xi1>) value(%get3A_208 : vector<16xi32>) : vector<16xi1>, vector<16xi32>
        %convert_element_type3A_213 = arith.sitofp %unique3A_212 : vector<16xi32> to vector<16xf32>
        tpu.vector_store_idx %arg15[%get3A_208], %convert_element_type3A_213 masked %unique3A_211 {add = true} : memref<1024xf32, #tpu.memory_space<vmem>>[vector<16xi32>], vector<16xf32>, vector<16xi1>
        %get3A_214 = arith.constant 80 : index
        %get3A_215 = tpu.vector_load %arg12[%get3A_214] {strides = array<i32>} : memref<128xi32, #tpu.memory_space<vmem>>, vector<16xi32>,
        %broadcast_in_dim3A_216 = arith.constant true
        %broadcast_in_dim3A_217 = vector.broadcast %broadcast_in_dim3A_216 : i1 to vector<16xi1>
        %unique3A_218, %unique3A_219 = tpu.scan_count mask(%broadcast_in_dim3A_217 : vector<16xi1>) value(%get3A_215 : vector<16xi32>) : vector<16xi1>, vector<16xi32>
        %convert_element_type3A_220 = arith.sitofp %unique3A_219 : vector<16xi32> to vector<16xf32>
        tpu.vector_store_idx %arg15[%get3A_215], %convert_element_type3A_220 masked %unique3A_218 {add = true} : memref<1024xf32, #tpu.memory_space<vmem>>[vector<16xi32>], vector<16xf32>, vector<16xi1>
        %get3A_221 = arith.constant 96 : index
        %get3A_222 = tpu.vector_load %arg12[%get3A_221] {strides = array<i32>} : memref<128xi32, #tpu.memory_space<vmem>>, vector<16xi32>,
        %broadcast_in_dim3A_223 = arith.constant true
        %broadcast_in_dim3A_224 = vector.broadcast %broadcast_in_dim3A_223 : i1 to vector<16xi1>
        %unique3A_225, %unique3A_226 = tpu.scan_count mask(%broadcast_in_dim3A_224 : vector<16xi1>) value(%get3A_222 : vector<16xi32>) : vector<16xi1>, vector<16xi32>
        %convert_element_type3A_227 = arith.sitofp %unique3A_226 : vector<16xi32> to vector<16xf32>
        tpu.vector_store_idx %arg15[%get3A_222], %convert_element_type3A_227 masked %unique3A_225 {add = true} : memref<1024xf32, #tpu.memory_space<vmem>>[vector<16xi32>], vector<16xf32>, vector<16xi1>
        %get3A_228 = arith.constant 112 : index
        %get3A_229 = tpu.vector_load %arg12[%get3A_228] {strides = array<i32>} : memref<128xi32, #tpu.memory_space<vmem>>, vector<16xi32>,
        %broadcast_in_dim3A_230 = arith.constant true
        %broadcast_in_dim3A_231 = vector.broadcast %broadcast_in_dim3A_230 : i1 to vector<16xi1>
        %unique3A_232, %unique3A_233 = tpu.scan_count mask(%broadcast_in_dim3A_231 : vector<16xi1>) value(%get3A_229 : vector<16xi32>) : vector<16xi1>, vector<16xi32>
        %convert_element_type3A_234 = arith.sitofp %unique3A_233 : vector<16xi32> to vector<16xf32>
        tpu.vector_store_idx %arg15[%get3A_229], %convert_element_type3A_234 masked %unique3A_232 {add = true} : memref<1024xf32, #tpu.memory_space<vmem>>[vector<16xi32>], vector<16xf32>, vector<16xi1>
      } else {
      }
      %while3A_169 = arith.constant 0 : i32
      scf.yield %while3A_169 : i32
    }
    %while3A_66 = arith.constant 1 : i32
    %while3A_67 = scf.for %while3A_101 = %while3A_63 to %while3A_59 step %while3A_66 iter_args(%while3A_102 = %while3A_65) -> (i32)  : i32 {
      %mul3A_103 = arith.constant 4 : i32
      %mul3A_104 = arith.muli %mul3A_103, %while3A_101 : i32
      %add3A_105 = arith.constant 0 : i32
      %add3A_106 = arith.addi %mul3A_104, %add3A_105 : i32
      %lt3A_107 = arith.cmpi slt, %add3A_106, %add3A_32 : i32
      %convert_element_type3A_108 = arith.extui %lt3A_107 : i1 to i32
      %cond3A_109 = arith.constant 0 : i32
      %cond3A_110 = arith.cmpi ne, %convert_element_type3A_108, %cond3A_109 : i32
      scf.if %cond3A_110 {
        %ge3A_170 = arith.constant 4 : i32
        %ge3A_171 = arith.cmpi sge, %add3A_106, %ge3A_170 : i32
        %convert_element_type3A_172 = arith.extui %ge3A_171 : i1 to i32
        %cond3A_173 = arith.constant 0 : i32
        %cond3A_174 = arith.cmpi ne, %convert_element_type3A_172, %cond3A_173 : i32
        scf.if %cond3A_174 {
          %dma_wait3A = arith.constant 0 : i32
          %dma_wait3A_183 = arith.constant 0 : i32
          %dma_wait3A_184 = tpu.memref_slice %arg6[%dma_wait3A, %dma_wait3A_183] : memref<1024x128xf32, #tpu.memory_space<vmem_shared>> -> memref<1024x128xf32, #tpu.memory_space<vmem_shared>>
          tpu.wait_indirect_dma semaphore(%arg25 : memref<!tpu.dma_semaphore, #tpu.memory_space<semaphore_mem>>) src(%arg7 : memref<128x128xf32, #tpu.memory_space<vmem>>) dst(%dma_wait3A_184 : memref<1024x128xf32, #tpu.memory_space<vmem_shared>>)
        } else {
        }
        %add3A_175 = arith.addi %add3A_28, %add3A_106 : i32
        %mul3A_176 = arith.constant 128 : i32
        %mul3A_177 = arith.muli %add3A_175, %mul3A_176 : i32
        %dma_start3A = tpu.memref_slice %arg3[%mul3A_177] : memref<320000xi32, #tpu.memory_space<hbm>> -> memref<128xi32, #tpu.memory_space<hbm>>
        %dma_start3A_178 = tpu.memref_slice %arg3[%mul3A_177] : memref<320000xi32, #tpu.memory_space<hbm>> -> memref<128xi32, #tpu.memory_space<hbm>>
        tpu.enqueue_dma source(%dma_start3A_178 : memref<128xi32, #tpu.memory_space<hbm>>) target(%arg11 : memref<128xi32, #tpu.memory_space<vmem>>) target_semaphore(%arg21 : memref<!tpu.dma_semaphore, #tpu.memory_space<semaphore_mem>>)
        %dma_start3A_179 = arith.constant 0 : i32
        %dma_start3A_180 = tpu.memref_slice %arg2[%mul3A_177, %dma_start3A_179] : memref<320000x128xf32, #tpu.memory_space<hbm>> -> memref<128x128xf32, #tpu.memory_space<hbm>>
        %dma_start3A_181 = arith.constant 0 : i32
        %dma_start3A_182 = tpu.memref_slice %arg2[%mul3A_177, %dma_start3A_181] : memref<320000x128xf32, #tpu.memory_space<hbm>> -> memref<128x128xf32, #tpu.memory_space<hbm>>
        tpu.enqueue_dma source(%dma_start3A_182 : memref<128x128xf32, #tpu.memory_space<hbm>>) target(%arg7 : memref<128x128xf32, #tpu.memory_space<vmem>>) target_semaphore(%arg17 : memref<!tpu.dma_semaphore, #tpu.memory_space<semaphore_mem>>)
      } else {
      }
      %ge3A = arith.constant 2 : i32
      %ge3A_111 = arith.cmpi sge, %add3A_106, %ge3A : i32
      %add3A_112 = arith.constant 1 : i32
      %add3A_113 = arith.addi %add3A_32, %add3A_112 : i32
      %le3A = arith.cmpi sle, %add3A_106, %add3A_113 : i32
      %and3A_114 = arith.andi %ge3A_111, %le3A : i1
      %convert_element_type3A_115 = arith.extui %and3A_114 : i1 to i32
      %cond3A_116 = arith.constant 0 : i32
      %cond3A_117 = arith.cmpi ne, %convert_element_type3A_115, %cond3A_116 : i32
      scf.if %cond3A_117 {
        %dma_wait3A = arith.constant 0 : i32
        %dma_wait3A_170 = tpu.memref_slice %arg3[%dma_wait3A] : memref<320000xi32, #tpu.memory_space<hbm>> -> memref<128xi32, #tpu.memory_space<hbm>>
        %dma_wait3A_171 = arith.constant 0 : i32
        %dma_wait3A_172 = tpu.memref_slice %arg3[%dma_wait3A_171] : memref<320000xi32, #tpu.memory_space<hbm>> -> memref<128xi32, #tpu.memory_space<hbm>>
        tpu.wait_dma2 semaphore(%arg23 : memref<!tpu.dma_semaphore, #tpu.memory_space<semaphore_mem>>) src(%dma_wait3A_172 : memref<128xi32, #tpu.memory_space<hbm>>) dst(%arg13 : memref<128xi32, #tpu.memory_space<vmem>>)
        %dma_wait3A_173 = arith.constant 0 : i32
        %dma_wait3A_174 = arith.constant 0 : i32
        %dma_wait3A_175 = tpu.memref_slice %arg2[%dma_wait3A_173, %dma_wait3A_174] : memref<320000x128xf32, #tpu.memory_space<hbm>> -> memref<128x128xf32, #tpu.memory_space<hbm>>
        %dma_wait3A_176 = arith.constant 0 : i32
        %dma_wait3A_177 = arith.constant 0 : i32
        %dma_wait3A_178 = tpu.memref_slice %arg2[%dma_wait3A_176, %dma_wait3A_177] : memref<320000x128xf32, #tpu.memory_space<hbm>> -> memref<128x128xf32, #tpu.memory_space<hbm>>
        tpu.wait_dma2 semaphore(%arg19 : memref<!tpu.dma_semaphore, #tpu.memory_space<semaphore_mem>>) src(%dma_wait3A_178 : memref<128x128xf32, #tpu.memory_space<hbm>>) dst(%arg9 : memref<128x128xf32, #tpu.memory_space<vmem>>)
        %dma_start3A = arith.constant 0 : i32
        %dma_start3A_179 = arith.constant 0 : i32
        %dma_start3A_180 = tpu.memref_slice %arg6[%dma_start3A, %dma_start3A_179] : memref<1024x128xf32, #tpu.memory_space<vmem_shared>> -> memref<1024x128xf32, #tpu.memory_space<vmem_shared>>
        tpu.enqueue_indirect_dma source(%arg9 : memref<128x128xf32, #tpu.memory_space<vmem>>) target(%dma_start3A_180 : memref<1024x128xf32, #tpu.memory_space<vmem_shared>>) offsets(%arg13 : memref<128xi32, #tpu.memory_space<vmem>>) semaphore(%arg27 : memref<!tpu.dma_semaphore, #tpu.memory_space<semaphore_mem>>) {add = true}
        %get3A = arith.constant 0 : index
        %get3A_181 = tpu.vector_load %arg13[%get3A] {strides = array<i32>} : memref<128xi32, #tpu.memory_space<vmem>>, vector<16xi32>,
        %broadcast_in_dim3A_182 = arith.constant true
        %broadcast_in_dim3A_183 = vector.broadcast %broadcast_in_dim3A_182 : i1 to vector<16xi1>
        %unique3A, %unique3A_184 = tpu.scan_count mask(%broadcast_in_dim3A_183 : vector<16xi1>) value(%get3A_181 : vector<16xi32>) : vector<16xi1>, vector<16xi32>
        %convert_element_type3A_185 = arith.sitofp %unique3A_184 : vector<16xi32> to vector<16xf32>
        tpu.vector_store_idx %arg15[%get3A_181], %convert_element_type3A_185 masked %unique3A {add = true} : memref<1024xf32, #tpu.memory_space<vmem>>[vector<16xi32>], vector<16xf32>, vector<16xi1>
        %get3A_186 = arith.constant 16 : index
        %get3A_187 = tpu.vector_load %arg13[%get3A_186] {strides = array<i32>} : memref<128xi32, #tpu.memory_space<vmem>>, vector<16xi32>,
        %broadcast_in_dim3A_188 = arith.constant true
        %broadcast_in_dim3A_189 = vector.broadcast %broadcast_in_dim3A_188 : i1 to vector<16xi1>
        %unique3A_190, %unique3A_191 = tpu.scan_count mask(%broadcast_in_dim3A_189 : vector<16xi1>) value(%get3A_187 : vector<16xi32>) : vector<16xi1>, vector<16xi32>
        %convert_element_type3A_192 = arith.sitofp %unique3A_191 : vector<16xi32> to vector<16xf32>
        tpu.vector_store_idx %arg15[%get3A_187], %convert_element_type3A_192 masked %unique3A_190 {add = true} : memref<1024xf32, #tpu.memory_space<vmem>>[vector<16xi32>], vector<16xf32>, vector<16xi1>
        %get3A_193 = arith.constant 32 : index
        %get3A_194 = tpu.vector_load %arg13[%get3A_193] {strides = array<i32>} : memref<128xi32, #tpu.memory_space<vmem>>, vector<16xi32>,
        %broadcast_in_dim3A_195 = arith.constant true
        %broadcast_in_dim3A_196 = vector.broadcast %broadcast_in_dim3A_195 : i1 to vector<16xi1>
        %unique3A_197, %unique3A_198 = tpu.scan_count mask(%broadcast_in_dim3A_196 : vector<16xi1>) value(%get3A_194 : vector<16xi32>) : vector<16xi1>, vector<16xi32>
        %convert_element_type3A_199 = arith.sitofp %unique3A_198 : vector<16xi32> to vector<16xf32>
        tpu.vector_store_idx %arg15[%get3A_194], %convert_element_type3A_199 masked %unique3A_197 {add = true} : memref<1024xf32, #tpu.memory_space<vmem>>[vector<16xi32>], vector<16xf32>, vector<16xi1>
        %get3A_200 = arith.constant 48 : index
        %get3A_201 = tpu.vector_load %arg13[%get3A_200] {strides = array<i32>} : memref<128xi32, #tpu.memory_space<vmem>>, vector<16xi32>,
        %broadcast_in_dim3A_202 = arith.constant true
        %broadcast_in_dim3A_203 = vector.broadcast %broadcast_in_dim3A_202 : i1 to vector<16xi1>
        %unique3A_204, %unique3A_205 = tpu.scan_count mask(%broadcast_in_dim3A_203 : vector<16xi1>) value(%get3A_201 : vector<16xi32>) : vector<16xi1>, vector<16xi32>
        %convert_element_type3A_206 = arith.sitofp %unique3A_205 : vector<16xi32> to vector<16xf32>
        tpu.vector_store_idx %arg15[%get3A_201], %convert_element_type3A_206 masked %unique3A_204 {add = true} : memref<1024xf32, #tpu.memory_space<vmem>>[vector<16xi32>], vector<16xf32>, vector<16xi1>
        %get3A_207 = arith.constant 64 : index
        %get3A_208 = tpu.vector_load %arg13[%get3A_207] {strides = array<i32>} : memref<128xi32, #tpu.memory_space<vmem>>, vector<16xi32>,
        %broadcast_in_dim3A_209 = arith.constant true
        %broadcast_in_dim3A_210 = vector.broadcast %broadcast_in_dim3A_209 : i1 to vector<16xi1>
        %unique3A_211, %unique3A_212 = tpu.scan_count mask(%broadcast_in_dim3A_210 : vector<16xi1>) value(%get3A_208 : vector<16xi32>) : vector<16xi1>, vector<16xi32>
        %convert_element_type3A_213 = arith.sitofp %unique3A_212 : vector<16xi32> to vector<16xf32>
        tpu.vector_store_idx %arg15[%get3A_208], %convert_element_type3A_213 masked %unique3A_211 {add = true} : memref<1024xf32, #tpu.memory_space<vmem>>[vector<16xi32>], vector<16xf32>, vector<16xi1>
        %get3A_214 = arith.constant 80 : index
        %get3A_215 = tpu.vector_load %arg13[%get3A_214] {strides = array<i32>} : memref<128xi32, #tpu.memory_space<vmem>>, vector<16xi32>,
        %broadcast_in_dim3A_216 = arith.constant true
        %broadcast_in_dim3A_217 = vector.broadcast %broadcast_in_dim3A_216 : i1 to vector<16xi1>
        %unique3A_218, %unique3A_219 = tpu.scan_count mask(%broadcast_in_dim3A_217 : vector<16xi1>) value(%get3A_215 : vector<16xi32>) : vector<16xi1>, vector<16xi32>
        %convert_element_type3A_220 = arith.sitofp %unique3A_219 : vector<16xi32> to vector<16xf32>
        tpu.vector_store_idx %arg15[%get3A_215], %convert_element_type3A_220 masked %unique3A_218 {add = true} : memref<1024xf32, #tpu.memory_space<vmem>>[vector<16xi32>], vector<16xf32>, vector<16xi1>
        %get3A_221 = arith.constant 96 : index
        %get3A_222 = tpu.vector_load %arg13[%get3A_221] {strides = array<i32>} : memref<128xi32, #tpu.memory_space<vmem>>, vector<16xi32>,
        %broadcast_in_dim3A_223 = arith.constant true
        %broadcast_in_dim3A_224 = vector.broadcast %broadcast_in_dim3A_223 : i1 to vector<16xi1>
        %unique3A_225, %unique3A_226 = tpu.scan_count mask(%broadcast_in_dim3A_224 : vector<16xi1>) value(%get3A_222 : vector<16xi32>) : vector<16xi1>, vector<16xi32>
        %convert_element_type3A_227 = arith.sitofp %unique3A_226 : vector<16xi32> to vector<16xf32>
        tpu.vector_store_idx %arg15[%get3A_222], %convert_element_type3A_227 masked %unique3A_225 {add = true} : memref<1024xf32, #tpu.memory_space<vmem>>[vector<16xi32>], vector<16xf32>, vector<16xi1>
        %get3A_228 = arith.constant 112 : index
        %get3A_229 = tpu.vector_load %arg13[%get3A_228] {strides = array<i32>} : memref<128xi32, #tpu.memory_space<vmem>>, vector<16xi32>,
        %broadcast_in_dim3A_230 = arith.constant true
        %broadcast_in_dim3A_231 = vector.broadcast %broadcast_in_dim3A_230 : i1 to vector<16xi1>
        %unique3A_232, %unique3A_233 = tpu.scan_count mask(%broadcast_in_dim3A_231 : vector<16xi1>) value(%get3A_229 : vector<16xi32>) : vector<16xi1>, vector<16xi32>
        %convert_element_type3A_234 = arith.sitofp %unique3A_233 : vector<16xi32> to vector<16xf32>
        tpu.vector_store_idx %arg15[%get3A_229], %convert_element_type3A_234 masked %unique3A_232 {add = true} : memref<1024xf32, #tpu.memory_space<vmem>>[vector<16xi32>], vector<16xf32>, vector<16xi1>
      } else {
      }
      %mul3A_118 = arith.constant 4 : i32
      %mul3A_119 = arith.muli %mul3A_118, %while3A_101 : i32
      %add3A_120 = arith.constant 1 : i32
      %add3A_121 = arith.addi %mul3A_119, %add3A_120 : i32
      %lt3A_122 = arith.cmpi slt, %add3A_121, %add3A_32 : i32
      %convert_element_type3A_123 = arith.extui %lt3A_122 : i1 to i32
      %cond3A_124 = arith.constant 0 : i32
      %cond3A_125 = arith.cmpi ne, %convert_element_type3A_123, %cond3A_124 : i32
      scf.if %cond3A_125 {
        %ge3A_170 = arith.constant 4 : i32
        %ge3A_171 = arith.cmpi sge, %add3A_121, %ge3A_170 : i32
        %convert_element_type3A_172 = arith.extui %ge3A_171 : i1 to i32
        %cond3A_173 = arith.constant 0 : i32
        %cond3A_174 = arith.cmpi ne, %convert_element_type3A_172, %cond3A_173 : i32
        scf.if %cond3A_174 {
          %dma_wait3A = arith.constant 0 : i32
          %dma_wait3A_183 = arith.constant 0 : i32
          %dma_wait3A_184 = tpu.memref_slice %arg6[%dma_wait3A, %dma_wait3A_183] : memref<1024x128xf32, #tpu.memory_space<vmem_shared>> -> memref<1024x128xf32, #tpu.memory_space<vmem_shared>>
          tpu.wait_indirect_dma semaphore(%arg26 : memref<!tpu.dma_semaphore, #tpu.memory_space<semaphore_mem>>) src(%arg8 : memref<128x128xf32, #tpu.memory_space<vmem>>) dst(%dma_wait3A_184 : memref<1024x128xf32, #tpu.memory_space<vmem_shared>>)
        } else {
        }
        %add3A_175 = arith.addi %add3A_28, %add3A_121 : i32
        %mul3A_176 = arith.constant 128 : i32
        %mul3A_177 = arith.muli %add3A_175, %mul3A_176 : i32
        %dma_start3A = tpu.memref_slice %arg3[%mul3A_177] : memref<320000xi32, #tpu.memory_space<hbm>> -> memref<128xi32, #tpu.memory_space<hbm>>
        %dma_start3A_178 = tpu.memref_slice %arg3[%mul3A_177] : memref<320000xi32, #tpu.memory_space<hbm>> -> memref<128xi32, #tpu.memory_space<hbm>>
        tpu.enqueue_dma source(%dma_start3A_178 : memref<128xi32, #tpu.memory_space<hbm>>) target(%arg12 : memref<128xi32, #tpu.memory_space<vmem>>) target_semaphore(%arg22 : memref<!tpu.dma_semaphore, #tpu.memory_space<semaphore_mem>>)
        %dma_start3A_179 = arith.constant 0 : i32
        %dma_start3A_180 = tpu.memref_slice %arg2[%mul3A_177, %dma_start3A_179] : memref<320000x128xf32, #tpu.memory_space<hbm>> -> memref<128x128xf32, #tpu.memory_space<hbm>>
        %dma_start3A_181 = arith.constant 0 : i32
        %dma_start3A_182 = tpu.memref_slice %arg2[%mul3A_177, %dma_start3A_181] : memref<320000x128xf32, #tpu.memory_space<hbm>> -> memref<128x128xf32, #tpu.memory_space<hbm>>
        tpu.enqueue_dma source(%dma_start3A_182 : memref<128x128xf32, #tpu.memory_space<hbm>>) target(%arg8 : memref<128x128xf32, #tpu.memory_space<vmem>>) target_semaphore(%arg18 : memref<!tpu.dma_semaphore, #tpu.memory_space<semaphore_mem>>)
      } else {
      }
      %ge3A_126 = arith.constant 2 : i32
      %ge3A_127 = arith.cmpi sge, %add3A_121, %ge3A_126 : i32
      %add3A_128 = arith.constant 1 : i32
      %add3A_129 = arith.addi %add3A_32, %add3A_128 : i32
      %le3A_130 = arith.cmpi sle, %add3A_121, %add3A_129 : i32
      %and3A_131 = arith.andi %ge3A_127, %le3A_130 : i1
      %convert_element_type3A_132 = arith.extui %and3A_131 : i1 to i32
      %cond3A_133 = arith.constant 0 : i32
      %cond3A_134 = arith.cmpi ne, %convert_element_type3A_132, %cond3A_133 : i32
      scf.if %cond3A_134 {
        %dma_wait3A = arith.constant 0 : i32
        %dma_wait3A_170 = tpu.memref_slice %arg3[%dma_wait3A] : memref<320000xi32, #tpu.memory_space<hbm>> -> memref<128xi32, #tpu.memory_space<hbm>>
        %dma_wait3A_171 = arith.constant 0 : i32
        %dma_wait3A_172 = tpu.memref_slice %arg3[%dma_wait3A_171] : memref<320000xi32, #tpu.memory_space<hbm>> -> memref<128xi32, #tpu.memory_space<hbm>>
        tpu.wait_dma2 semaphore(%arg24 : memref<!tpu.dma_semaphore, #tpu.memory_space<semaphore_mem>>) src(%dma_wait3A_172 : memref<128xi32, #tpu.memory_space<hbm>>) dst(%arg14 : memref<128xi32, #tpu.memory_space<vmem>>)
        %dma_wait3A_173 = arith.constant 0 : i32
        %dma_wait3A_174 = arith.constant 0 : i32
        %dma_wait3A_175 = tpu.memref_slice %arg2[%dma_wait3A_173, %dma_wait3A_174] : memref<320000x128xf32, #tpu.memory_space<hbm>> -> memref<128x128xf32, #tpu.memory_space<hbm>>
        %dma_wait3A_176 = arith.constant 0 : i32
        %dma_wait3A_177 = arith.constant 0 : i32
        %dma_wait3A_178 = tpu.memref_slice %arg2[%dma_wait3A_176, %dma_wait3A_177] : memref<320000x128xf32, #tpu.memory_space<hbm>> -> memref<128x128xf32, #tpu.memory_space<hbm>>
        tpu.wait_dma2 semaphore(%arg20 : memref<!tpu.dma_semaphore, #tpu.memory_space<semaphore_mem>>) src(%dma_wait3A_178 : memref<128x128xf32, #tpu.memory_space<hbm>>) dst(%arg10 : memref<128x128xf32, #tpu.memory_space<vmem>>)
        %dma_start3A = arith.constant 0 : i32
        %dma_start3A_179 = arith.constant 0 : i32
        %dma_start3A_180 = tpu.memref_slice %arg6[%dma_start3A, %dma_start3A_179] : memref<1024x128xf32, #tpu.memory_space<vmem_shared>> -> memref<1024x128xf32, #tpu.memory_space<vmem_shared>>
        tpu.enqueue_indirect_dma source(%arg10 : memref<128x128xf32, #tpu.memory_space<vmem>>) target(%dma_start3A_180 : memref<1024x128xf32, #tpu.memory_space<vmem_shared>>) offsets(%arg14 : memref<128xi32, #tpu.memory_space<vmem>>) semaphore(%arg28 : memref<!tpu.dma_semaphore, #tpu.memory_space<semaphore_mem>>) {add = true}
        %get3A = arith.constant 0 : index
        %get3A_181 = tpu.vector_load %arg14[%get3A] {strides = array<i32>} : memref<128xi32, #tpu.memory_space<vmem>>, vector<16xi32>,
        %broadcast_in_dim3A_182 = arith.constant true
        %broadcast_in_dim3A_183 = vector.broadcast %broadcast_in_dim3A_182 : i1 to vector<16xi1>
        %unique3A, %unique3A_184 = tpu.scan_count mask(%broadcast_in_dim3A_183 : vector<16xi1>) value(%get3A_181 : vector<16xi32>) : vector<16xi1>, vector<16xi32>
        %convert_element_type3A_185 = arith.sitofp %unique3A_184 : vector<16xi32> to vector<16xf32>
        tpu.vector_store_idx %arg15[%get3A_181], %convert_element_type3A_185 masked %unique3A {add = true} : memref<1024xf32, #tpu.memory_space<vmem>>[vector<16xi32>], vector<16xf32>, vector<16xi1>
        %get3A_186 = arith.constant 16 : index
        %get3A_187 = tpu.vector_load %arg14[%get3A_186] {strides = array<i32>} : memref<128xi32, #tpu.memory_space<vmem>>, vector<16xi32>,
        %broadcast_in_dim3A_188 = arith.constant true
        %broadcast_in_dim3A_189 = vector.broadcast %broadcast_in_dim3A_188 : i1 to vector<16xi1>
        %unique3A_190, %unique3A_191 = tpu.scan_count mask(%broadcast_in_dim3A_189 : vector<16xi1>) value(%get3A_187 : vector<16xi32>) : vector<16xi1>, vector<16xi32>
        %convert_element_type3A_192 = arith.sitofp %unique3A_191 : vector<16xi32> to vector<16xf32>
        tpu.vector_store_idx %arg15[%get3A_187], %convert_element_type3A_192 masked %unique3A_190 {add = true} : memref<1024xf32, #tpu.memory_space<vmem>>[vector<16xi32>], vector<16xf32>, vector<16xi1>
        %get3A_193 = arith.constant 32 : index
        %get3A_194 = tpu.vector_load %arg14[%get3A_193] {strides = array<i32>} : memref<128xi32, #tpu.memory_space<vmem>>, vector<16xi32>,
        %broadcast_in_dim3A_195 = arith.constant true
        %broadcast_in_dim3A_196 = vector.broadcast %broadcast_in_dim3A_195 : i1 to vector<16xi1>
        %unique3A_197, %unique3A_198 = tpu.scan_count mask(%broadcast_in_dim3A_196 : vector<16xi1>) value(%get3A_194 : vector<16xi32>) : vector<16xi1>, vector<16xi32>
        %convert_element_type3A_199 = arith.sitofp %unique3A_198 : vector<16xi32> to vector<16xf32>
        tpu.vector_store_idx %arg15[%get3A_194], %convert_element_type3A_199 masked %unique3A_197 {add = true} : memref<1024xf32, #tpu.memory_space<vmem>>[vector<16xi32>], vector<16xf32>, vector<16xi1>
        %get3A_200 = arith.constant 48 : index
        %get3A_201 = tpu.vector_load %arg14[%get3A_200] {strides = array<i32>} : memref<128xi32, #tpu.memory_space<vmem>>, vector<16xi32>,
        %broadcast_in_dim3A_202 = arith.constant true
        %broadcast_in_dim3A_203 = vector.broadcast %broadcast_in_dim3A_202 : i1 to vector<16xi1>
        %unique3A_204, %unique3A_205 = tpu.scan_count mask(%broadcast_in_dim3A_203 : vector<16xi1>) value(%get3A_201 : vector<16xi32>) : vector<16xi1>, vector<16xi32>
        %convert_element_type3A_206 = arith.sitofp %unique3A_205 : vector<16xi32> to vector<16xf32>
        tpu.vector_store_idx %arg15[%get3A_201], %convert_element_type3A_206 masked %unique3A_204 {add = true} : memref<1024xf32, #tpu.memory_space<vmem>>[vector<16xi32>], vector<16xf32>, vector<16xi1>
        %get3A_207 = arith.constant 64 : index
        %get3A_208 = tpu.vector_load %arg14[%get3A_207] {strides = array<i32>} : memref<128xi32, #tpu.memory_space<vmem>>, vector<16xi32>,
        %broadcast_in_dim3A_209 = arith.constant true
        %broadcast_in_dim3A_210 = vector.broadcast %broadcast_in_dim3A_209 : i1 to vector<16xi1>
        %unique3A_211, %unique3A_212 = tpu.scan_count mask(%broadcast_in_dim3A_210 : vector<16xi1>) value(%get3A_208 : vector<16xi32>) : vector<16xi1>, vector<16xi32>
        %convert_element_type3A_213 = arith.sitofp %unique3A_212 : vector<16xi32> to vector<16xf32>
        tpu.vector_store_idx %arg15[%get3A_208], %convert_element_type3A_213 masked %unique3A_211 {add = true} : memref<1024xf32, #tpu.memory_space<vmem>>[vector<16xi32>], vector<16xf32>, vector<16xi1>
        %get3A_214 = arith.constant 80 : index
        %get3A_215 = tpu.vector_load %arg14[%get3A_214] {strides = array<i32>} : memref<128xi32, #tpu.memory_space<vmem>>, vector<16xi32>,
        %broadcast_in_dim3A_216 = arith.constant true
        %broadcast_in_dim3A_217 = vector.broadcast %broadcast_in_dim3A_216 : i1 to vector<16xi1>
        %unique3A_218, %unique3A_219 = tpu.scan_count mask(%broadcast_in_dim3A_217 : vector<16xi1>) value(%get3A_215 : vector<16xi32>) : vector<16xi1>, vector<16xi32>
        %convert_element_type3A_220 = arith.sitofp %unique3A_219 : vector<16xi32> to vector<16xf32>
        tpu.vector_store_idx %arg15[%get3A_215], %convert_element_type3A_220 masked %unique3A_218 {add = true} : memref<1024xf32, #tpu.memory_space<vmem>>[vector<16xi32>], vector<16xf32>, vector<16xi1>
        %get3A_221 = arith.constant 96 : index
        %get3A_222 = tpu.vector_load %arg14[%get3A_221] {strides = array<i32>} : memref<128xi32, #tpu.memory_space<vmem>>, vector<16xi32>,
        %broadcast_in_dim3A_223 = arith.constant true
        %broadcast_in_dim3A_224 = vector.broadcast %broadcast_in_dim3A_223 : i1 to vector<16xi1>
        %unique3A_225, %unique3A_226 = tpu.scan_count mask(%broadcast_in_dim3A_224 : vector<16xi1>) value(%get3A_222 : vector<16xi32>) : vector<16xi1>, vector<16xi32>
        %convert_element_type3A_227 = arith.sitofp %unique3A_226 : vector<16xi32> to vector<16xf32>
        tpu.vector_store_idx %arg15[%get3A_222], %convert_element_type3A_227 masked %unique3A_225 {add = true} : memref<1024xf32, #tpu.memory_space<vmem>>[vector<16xi32>], vector<16xf32>, vector<16xi1>
        %get3A_228 = arith.constant 112 : index
        %get3A_229 = tpu.vector_load %arg14[%get3A_228] {strides = array<i32>} : memref<128xi32, #tpu.memory_space<vmem>>, vector<16xi32>,
        %broadcast_in_dim3A_230 = arith.constant true
        %broadcast_in_dim3A_231 = vector.broadcast %broadcast_in_dim3A_230 : i1 to vector<16xi1>
        %unique3A_232, %unique3A_233 = tpu.scan_count mask(%broadcast_in_dim3A_231 : vector<16xi1>) value(%get3A_229 : vector<16xi32>) : vector<16xi1>, vector<16xi32>
        %convert_element_type3A_234 = arith.sitofp %unique3A_233 : vector<16xi32> to vector<16xf32>
        tpu.vector_store_idx %arg15[%get3A_229], %convert_element_type3A_234 masked %unique3A_232 {add = true} : memref<1024xf32, #tpu.memory_space<vmem>>[vector<16xi32>], vector<16xf32>, vector<16xi1>
      } else {
      }
      %mul3A_135 = arith.constant 4 : i32
      %mul3A_136 = arith.muli %mul3A_135, %while3A_101 : i32
      %add3A_137 = arith.constant 2 : i32
      %add3A_138 = arith.addi %mul3A_136, %add3A_137 : i32
      %lt3A_139 = arith.cmpi slt, %add3A_138, %add3A_32 : i32
      %convert_element_type3A_140 = arith.extui %lt3A_139 : i1 to i32
      %cond3A_141 = arith.constant 0 : i32
      %cond3A_142 = arith.cmpi ne, %convert_element_type3A_140, %cond3A_141 : i32
      scf.if %cond3A_142 {
        %ge3A_170 = arith.constant 4 : i32
        %ge3A_171 = arith.cmpi sge, %add3A_138, %ge3A_170 : i32
        %convert_element_type3A_172 = arith.extui %ge3A_171 : i1 to i32
        %cond3A_173 = arith.constant 0 : i32
        %cond3A_174 = arith.cmpi ne, %convert_element_type3A_172, %cond3A_173 : i32
        scf.if %cond3A_174 {
          %dma_wait3A = arith.constant 0 : i32
          %dma_wait3A_183 = arith.constant 0 : i32
          %dma_wait3A_184 = tpu.memref_slice %arg6[%dma_wait3A, %dma_wait3A_183] : memref<1024x128xf32, #tpu.memory_space<vmem_shared>> -> memref<1024x128xf32, #tpu.memory_space<vmem_shared>>
          tpu.wait_indirect_dma semaphore(%arg27 : memref<!tpu.dma_semaphore, #tpu.memory_space<semaphore_mem>>) src(%arg9 : memref<128x128xf32, #tpu.memory_space<vmem>>) dst(%dma_wait3A_184 : memref<1024x128xf32, #tpu.memory_space<vmem_shared>>)
        } else {
        }
        %add3A_175 = arith.addi %add3A_28, %add3A_138 : i32
        %mul3A_176 = arith.constant 128 : i32
        %mul3A_177 = arith.muli %add3A_175, %mul3A_176 : i32
        %dma_start3A = tpu.memref_slice %arg3[%mul3A_177] : memref<320000xi32, #tpu.memory_space<hbm>> -> memref<128xi32, #tpu.memory_space<hbm>>
        %dma_start3A_178 = tpu.memref_slice %arg3[%mul3A_177] : memref<320000xi32, #tpu.memory_space<hbm>> -> memref<128xi32, #tpu.memory_space<hbm>>
        tpu.enqueue_dma source(%dma_start3A_178 : memref<128xi32, #tpu.memory_space<hbm>>) target(%arg13 : memref<128xi32, #tpu.memory_space<vmem>>) target_semaphore(%arg23 : memref<!tpu.dma_semaphore, #tpu.memory_space<semaphore_mem>>)
        %dma_start3A_179 = arith.constant 0 : i32
        %dma_start3A_180 = tpu.memref_slice %arg2[%mul3A_177, %dma_start3A_179] : memref<320000x128xf32, #tpu.memory_space<hbm>> -> memref<128x128xf32, #tpu.memory_space<hbm>>
        %dma_start3A_181 = arith.constant 0 : i32
        %dma_start3A_182 = tpu.memref_slice %arg2[%mul3A_177, %dma_start3A_181] : memref<320000x128xf32, #tpu.memory_space<hbm>> -> memref<128x128xf32, #tpu.memory_space<hbm>>
        tpu.enqueue_dma source(%dma_start3A_182 : memref<128x128xf32, #tpu.memory_space<hbm>>) target(%arg9 : memref<128x128xf32, #tpu.memory_space<vmem>>) target_semaphore(%arg19 : memref<!tpu.dma_semaphore, #tpu.memory_space<semaphore_mem>>)
      } else {
      }
      %ge3A_143 = arith.constant 2 : i32
      %ge3A_144 = arith.cmpi sge, %add3A_138, %ge3A_143 : i32
      %add3A_145 = arith.constant 1 : i32
      %add3A_146 = arith.addi %add3A_32, %add3A_145 : i32
      %le3A_147 = arith.cmpi sle, %add3A_138, %add3A_146 : i32
      %and3A_148 = arith.andi %ge3A_144, %le3A_147 : i1
      %convert_element_type3A_149 = arith.extui %and3A_148 : i1 to i32
      %cond3A_150 = arith.constant 0 : i32
      %cond3A_151 = arith.cmpi ne, %convert_element_type3A_149, %cond3A_150 : i32
      scf.if %cond3A_151 {
        %dma_wait3A = arith.constant 0 : i32
        %dma_wait3A_170 = tpu.memref_slice %arg3[%dma_wait3A] : memref<320000xi32, #tpu.memory_space<hbm>> -> memref<128xi32, #tpu.memory_space<hbm>>
        %dma_wait3A_171 = arith.constant 0 : i32
        %dma_wait3A_172 = tpu.memref_slice %arg3[%dma_wait3A_171] : memref<320000xi32, #tpu.memory_space<hbm>> -> memref<128xi32, #tpu.memory_space<hbm>>
        tpu.wait_dma2 semaphore(%arg21 : memref<!tpu.dma_semaphore, #tpu.memory_space<semaphore_mem>>) src(%dma_wait3A_172 : memref<128xi32, #tpu.memory_space<hbm>>) dst(%arg11 : memref<128xi32, #tpu.memory_space<vmem>>)
        %dma_wait3A_173 = arith.constant 0 : i32
        %dma_wait3A_174 = arith.constant 0 : i32
        %dma_wait3A_175 = tpu.memref_slice %arg2[%dma_wait3A_173, %dma_wait3A_174] : memref<320000x128xf32, #tpu.memory_space<hbm>> -> memref<128x128xf32, #tpu.memory_space<hbm>>
        %dma_wait3A_176 = arith.constant 0 : i32
        %dma_wait3A_177 = arith.constant 0 : i32
        %dma_wait3A_178 = tpu.memref_slice %arg2[%dma_wait3A_176, %dma_wait3A_177] : memref<320000x128xf32, #tpu.memory_space<hbm>> -> memref<128x128xf32, #tpu.memory_space<hbm>>
        tpu.wait_dma2 semaphore(%arg17 : memref<!tpu.dma_semaphore, #tpu.memory_space<semaphore_mem>>) src(%dma_wait3A_178 : memref<128x128xf32, #tpu.memory_space<hbm>>) dst(%arg7 : memref<128x128xf32, #tpu.memory_space<vmem>>)
        %dma_start3A = arith.constant 0 : i32
        %dma_start3A_179 = arith.constant 0 : i32
        %dma_start3A_180 = tpu.memref_slice %arg6[%dma_start3A, %dma_start3A_179] : memref<1024x128xf32, #tpu.memory_space<vmem_shared>> -> memref<1024x128xf32, #tpu.memory_space<vmem_shared>>
        tpu.enqueue_indirect_dma source(%arg7 : memref<128x128xf32, #tpu.memory_space<vmem>>) target(%dma_start3A_180 : memref<1024x128xf32, #tpu.memory_space<vmem_shared>>) offsets(%arg11 : memref<128xi32, #tpu.memory_space<vmem>>) semaphore(%arg25 : memref<!tpu.dma_semaphore, #tpu.memory_space<semaphore_mem>>) {add = true}
        %get3A = arith.constant 0 : index
        %get3A_181 = tpu.vector_load %arg11[%get3A] {strides = array<i32>} : memref<128xi32, #tpu.memory_space<vmem>>, vector<16xi32>,
        %broadcast_in_dim3A_182 = arith.constant true
        %broadcast_in_dim3A_183 = vector.broadcast %broadcast_in_dim3A_182 : i1 to vector<16xi1>
        %unique3A, %unique3A_184 = tpu.scan_count mask(%broadcast_in_dim3A_183 : vector<16xi1>) value(%get3A_181 : vector<16xi32>) : vector<16xi1>, vector<16xi32>
        %convert_element_type3A_185 = arith.sitofp %unique3A_184 : vector<16xi32> to vector<16xf32>
        tpu.vector_store_idx %arg15[%get3A_181], %convert_element_type3A_185 masked %unique3A {add = true} : memref<1024xf32, #tpu.memory_space<vmem>>[vector<16xi32>], vector<16xf32>, vector<16xi1>
        %get3A_186 = arith.constant 16 : index
        %get3A_187 = tpu.vector_load %arg11[%get3A_186] {strides = array<i32>} : memref<128xi32, #tpu.memory_space<vmem>>, vector<16xi32>,
        %broadcast_in_dim3A_188 = arith.constant true
        %broadcast_in_dim3A_189 = vector.broadcast %broadcast_in_dim3A_188 : i1 to vector<16xi1>
        %unique3A_190, %unique3A_191 = tpu.scan_count mask(%broadcast_in_dim3A_189 : vector<16xi1>) value(%get3A_187 : vector<16xi32>) : vector<16xi1>, vector<16xi32>
        %convert_element_type3A_192 = arith.sitofp %unique3A_191 : vector<16xi32> to vector<16xf32>
        tpu.vector_store_idx %arg15[%get3A_187], %convert_element_type3A_192 masked %unique3A_190 {add = true} : memref<1024xf32, #tpu.memory_space<vmem>>[vector<16xi32>], vector<16xf32>, vector<16xi1>
        %get3A_193 = arith.constant 32 : index
        %get3A_194 = tpu.vector_load %arg11[%get3A_193] {strides = array<i32>} : memref<128xi32, #tpu.memory_space<vmem>>, vector<16xi32>,
        %broadcast_in_dim3A_195 = arith.constant true
        %broadcast_in_dim3A_196 = vector.broadcast %broadcast_in_dim3A_195 : i1 to vector<16xi1>
        %unique3A_197, %unique3A_198 = tpu.scan_count mask(%broadcast_in_dim3A_196 : vector<16xi1>) value(%get3A_194 : vector<16xi32>) : vector<16xi1>, vector<16xi32>
        %convert_element_type3A_199 = arith.sitofp %unique3A_198 : vector<16xi32> to vector<16xf32>
        tpu.vector_store_idx %arg15[%get3A_194], %convert_element_type3A_199 masked %unique3A_197 {add = true} : memref<1024xf32, #tpu.memory_space<vmem>>[vector<16xi32>], vector<16xf32>, vector<16xi1>
        %get3A_200 = arith.constant 48 : index
        %get3A_201 = tpu.vector_load %arg11[%get3A_200] {strides = array<i32>} : memref<128xi32, #tpu.memory_space<vmem>>, vector<16xi32>,
        %broadcast_in_dim3A_202 = arith.constant true
        %broadcast_in_dim3A_203 = vector.broadcast %broadcast_in_dim3A_202 : i1 to vector<16xi1>
        %unique3A_204, %unique3A_205 = tpu.scan_count mask(%broadcast_in_dim3A_203 : vector<16xi1>) value(%get3A_201 : vector<16xi32>) : vector<16xi1>, vector<16xi32>
        %convert_element_type3A_206 = arith.sitofp %unique3A_205 : vector<16xi32> to vector<16xf32>
        tpu.vector_store_idx %arg15[%get3A_201], %convert_element_type3A_206 masked %unique3A_204 {add = true} : memref<1024xf32, #tpu.memory_space<vmem>>[vector<16xi32>], vector<16xf32>, vector<16xi1>
        %get3A_207 = arith.constant 64 : index
        %get3A_208 = tpu.vector_load %arg11[%get3A_207] {strides = array<i32>} : memref<128xi32, #tpu.memory_space<vmem>>, vector<16xi32>,
        %broadcast_in_dim3A_209 = arith.constant true
        %broadcast_in_dim3A_210 = vector.broadcast %broadcast_in_dim3A_209 : i1 to vector<16xi1>
        %unique3A_211, %unique3A_212 = tpu.scan_count mask(%broadcast_in_dim3A_210 : vector<16xi1>) value(%get3A_208 : vector<16xi32>) : vector<16xi1>, vector<16xi32>
        %convert_element_type3A_213 = arith.sitofp %unique3A_212 : vector<16xi32> to vector<16xf32>
        tpu.vector_store_idx %arg15[%get3A_208], %convert_element_type3A_213 masked %unique3A_211 {add = true} : memref<1024xf32, #tpu.memory_space<vmem>>[vector<16xi32>], vector<16xf32>, vector<16xi1>
        %get3A_214 = arith.constant 80 : index
        %get3A_215 = tpu.vector_load %arg11[%get3A_214] {strides = array<i32>} : memref<128xi32, #tpu.memory_space<vmem>>, vector<16xi32>,
        %broadcast_in_dim3A_216 = arith.constant true
        %broadcast_in_dim3A_217 = vector.broadcast %broadcast_in_dim3A_216 : i1 to vector<16xi1>
        %unique3A_218, %unique3A_219 = tpu.scan_count mask(%broadcast_in_dim3A_217 : vector<16xi1>) value(%get3A_215 : vector<16xi32>) : vector<16xi1>, vector<16xi32>
        %convert_element_type3A_220 = arith.sitofp %unique3A_219 : vector<16xi32> to vector<16xf32>
        tpu.vector_store_idx %arg15[%get3A_215], %convert_element_type3A_220 masked %unique3A_218 {add = true} : memref<1024xf32, #tpu.memory_space<vmem>>[vector<16xi32>], vector<16xf32>, vector<16xi1>
        %get3A_221 = arith.constant 96 : index
        %get3A_222 = tpu.vector_load %arg11[%get3A_221] {strides = array<i32>} : memref<128xi32, #tpu.memory_space<vmem>>, vector<16xi32>,
        %broadcast_in_dim3A_223 = arith.constant true
        %broadcast_in_dim3A_224 = vector.broadcast %broadcast_in_dim3A_223 : i1 to vector<16xi1>
        %unique3A_225, %unique3A_226 = tpu.scan_count mask(%broadcast_in_dim3A_224 : vector<16xi1>) value(%get3A_222 : vector<16xi32>) : vector<16xi1>, vector<16xi32>
        %convert_element_type3A_227 = arith.sitofp %unique3A_226 : vector<16xi32> to vector<16xf32>
        tpu.vector_store_idx %arg15[%get3A_222], %convert_element_type3A_227 masked %unique3A_225 {add = true} : memref<1024xf32, #tpu.memory_space<vmem>>[vector<16xi32>], vector<16xf32>, vector<16xi1>
        %get3A_228 = arith.constant 112 : index
        %get3A_229 = tpu.vector_load %arg11[%get3A_228] {strides = array<i32>} : memref<128xi32, #tpu.memory_space<vmem>>, vector<16xi32>,
        %broadcast_in_dim3A_230 = arith.constant true
        %broadcast_in_dim3A_231 = vector.broadcast %broadcast_in_dim3A_230 : i1 to vector<16xi1>
        %unique3A_232, %unique3A_233 = tpu.scan_count mask(%broadcast_in_dim3A_231 : vector<16xi1>) value(%get3A_229 : vector<16xi32>) : vector<16xi1>, vector<16xi32>
        %convert_element_type3A_234 = arith.sitofp %unique3A_233 : vector<16xi32> to vector<16xf32>
        tpu.vector_store_idx %arg15[%get3A_229], %convert_element_type3A_234 masked %unique3A_232 {add = true} : memref<1024xf32, #tpu.memory_space<vmem>>[vector<16xi32>], vector<16xf32>, vector<16xi1>
      } else {
      }
      %mul3A_152 = arith.constant 4 : i32
      %mul3A_153 = arith.muli %mul3A_152, %while3A_101 : i32
      %add3A_154 = arith.constant 3 : i32
      %add3A_155 = arith.addi %mul3A_153, %add3A_154 : i32
      %lt3A_156 = arith.cmpi slt, %add3A_155, %add3A_32 : i32
      %convert_element_type3A_157 = arith.extui %lt3A_156 : i1 to i32
      %cond3A_158 = arith.constant 0 : i32
      %cond3A_159 = arith.cmpi ne, %convert_element_type3A_157, %cond3A_158 : i32
      scf.if %cond3A_159 {
        %ge3A_170 = arith.constant 4 : i32
        %ge3A_171 = arith.cmpi sge, %add3A_155, %ge3A_170 : i32
        %convert_element_type3A_172 = arith.extui %ge3A_171 : i1 to i32
        %cond3A_173 = arith.constant 0 : i32
        %cond3A_174 = arith.cmpi ne, %convert_element_type3A_172, %cond3A_173 : i32
        scf.if %cond3A_174 {
          %dma_wait3A = arith.constant 0 : i32
          %dma_wait3A_183 = arith.constant 0 : i32
          %dma_wait3A_184 = tpu.memref_slice %arg6[%dma_wait3A, %dma_wait3A_183] : memref<1024x128xf32, #tpu.memory_space<vmem_shared>> -> memref<1024x128xf32, #tpu.memory_space<vmem_shared>>
          tpu.wait_indirect_dma semaphore(%arg28 : memref<!tpu.dma_semaphore, #tpu.memory_space<semaphore_mem>>) src(%arg10 : memref<128x128xf32, #tpu.memory_space<vmem>>) dst(%dma_wait3A_184 : memref<1024x128xf32, #tpu.memory_space<vmem_shared>>)
        } else {
        }
        %add3A_175 = arith.addi %add3A_28, %add3A_155 : i32
        %mul3A_176 = arith.constant 128 : i32
        %mul3A_177 = arith.muli %add3A_175, %mul3A_176 : i32
        %dma_start3A = tpu.memref_slice %arg3[%mul3A_177] : memref<320000xi32, #tpu.memory_space<hbm>> -> memref<128xi32, #tpu.memory_space<hbm>>
        %dma_start3A_178 = tpu.memref_slice %arg3[%mul3A_177] : memref<320000xi32, #tpu.memory_space<hbm>> -> memref<128xi32, #tpu.memory_space<hbm>>
        tpu.enqueue_dma source(%dma_start3A_178 : memref<128xi32, #tpu.memory_space<hbm>>) target(%arg14 : memref<128xi32, #tpu.memory_space<vmem>>) target_semaphore(%arg24 : memref<!tpu.dma_semaphore, #tpu.memory_space<semaphore_mem>>)
        %dma_start3A_179 = arith.constant 0 : i32
        %dma_start3A_180 = tpu.memref_slice %arg2[%mul3A_177, %dma_start3A_179] : memref<320000x128xf32, #tpu.memory_space<hbm>> -> memref<128x128xf32, #tpu.memory_space<hbm>>
        %dma_start3A_181 = arith.constant 0 : i32
        %dma_start3A_182 = tpu.memref_slice %arg2[%mul3A_177, %dma_start3A_181] : memref<320000x128xf32, #tpu.memory_space<hbm>> -> memref<128x128xf32, #tpu.memory_space<hbm>>
        tpu.enqueue_dma source(%dma_start3A_182 : memref<128x128xf32, #tpu.memory_space<hbm>>) target(%arg10 : memref<128x128xf32, #tpu.memory_space<vmem>>) target_semaphore(%arg20 : memref<!tpu.dma_semaphore, #tpu.memory_space<semaphore_mem>>)
      } else {
      }
      %ge3A_160 = arith.constant 2 : i32
      %ge3A_161 = arith.cmpi sge, %add3A_155, %ge3A_160 : i32
      %add3A_162 = arith.constant 1 : i32
      %add3A_163 = arith.addi %add3A_32, %add3A_162 : i32
      %le3A_164 = arith.cmpi sle, %add3A_155, %add3A_163 : i32
      %and3A_165 = arith.andi %ge3A_161, %le3A_164 : i1
      %convert_element_type3A_166 = arith.extui %and3A_165 : i1 to i32
      %cond3A_167 = arith.constant 0 : i32
      %cond3A_168 = arith.cmpi ne, %convert_element_type3A_166, %cond3A_167 : i32
      scf.if %cond3A_168 {
        %dma_wait3A = arith.constant 0 : i32
        %dma_wait3A_170 = tpu.memref_slice %arg3[%dma_wait3A] : memref<320000xi32, #tpu.memory_space<hbm>> -> memref<128xi32, #tpu.memory_space<hbm>>
        %dma_wait3A_171 = arith.constant 0 : i32
        %dma_wait3A_172 = tpu.memref_slice %arg3[%dma_wait3A_171] : memref<320000xi32, #tpu.memory_space<hbm>> -> memref<128xi32, #tpu.memory_space<hbm>>
        tpu.wait_dma2 semaphore(%arg22 : memref<!tpu.dma_semaphore, #tpu.memory_space<semaphore_mem>>) src(%dma_wait3A_172 : memref<128xi32, #tpu.memory_space<hbm>>) dst(%arg12 : memref<128xi32, #tpu.memory_space<vmem>>)
        %dma_wait3A_173 = arith.constant 0 : i32
        %dma_wait3A_174 = arith.constant 0 : i32
        %dma_wait3A_175 = tpu.memref_slice %arg2[%dma_wait3A_173, %dma_wait3A_174] : memref<320000x128xf32, #tpu.memory_space<hbm>> -> memref<128x128xf32, #tpu.memory_space<hbm>>
        %dma_wait3A_176 = arith.constant 0 : i32
        %dma_wait3A_177 = arith.constant 0 : i32
        %dma_wait3A_178 = tpu.memref_slice %arg2[%dma_wait3A_176, %dma_wait3A_177] : memref<320000x128xf32, #tpu.memory_space<hbm>> -> memref<128x128xf32, #tpu.memory_space<hbm>>
        tpu.wait_dma2 semaphore(%arg18 : memref<!tpu.dma_semaphore, #tpu.memory_space<semaphore_mem>>) src(%dma_wait3A_178 : memref<128x128xf32, #tpu.memory_space<hbm>>) dst(%arg8 : memref<128x128xf32, #tpu.memory_space<vmem>>)
        %dma_start3A = arith.constant 0 : i32
        %dma_start3A_179 = arith.constant 0 : i32
        %dma_start3A_180 = tpu.memref_slice %arg6[%dma_start3A, %dma_start3A_179] : memref<1024x128xf32, #tpu.memory_space<vmem_shared>> -> memref<1024x128xf32, #tpu.memory_space<vmem_shared>>
        tpu.enqueue_indirect_dma source(%arg8 : memref<128x128xf32, #tpu.memory_space<vmem>>) target(%dma_start3A_180 : memref<1024x128xf32, #tpu.memory_space<vmem_shared>>) offsets(%arg12 : memref<128xi32, #tpu.memory_space<vmem>>) semaphore(%arg26 : memref<!tpu.dma_semaphore, #tpu.memory_space<semaphore_mem>>) {add = true}
        %get3A = arith.constant 0 : index
        %get3A_181 = tpu.vector_load %arg12[%get3A] {strides = array<i32>} : memref<128xi32, #tpu.memory_space<vmem>>, vector<16xi32>,
        %broadcast_in_dim3A_182 = arith.constant true
        %broadcast_in_dim3A_183 = vector.broadcast %broadcast_in_dim3A_182 : i1 to vector<16xi1>
        %unique3A, %unique3A_184 = tpu.scan_count mask(%broadcast_in_dim3A_183 : vector<16xi1>) value(%get3A_181 : vector<16xi32>) : vector<16xi1>, vector<16xi32>
        %convert_element_type3A_185 = arith.sitofp %unique3A_184 : vector<16xi32> to vector<16xf32>
        tpu.vector_store_idx %arg15[%get3A_181], %convert_element_type3A_185 masked %unique3A {add = true} : memref<1024xf32, #tpu.memory_space<vmem>>[vector<16xi32>], vector<16xf32>, vector<16xi1>
        %get3A_186 = arith.constant 16 : index
        %get3A_187 = tpu.vector_load %arg12[%get3A_186] {strides = array<i32>} : memref<128xi32, #tpu.memory_space<vmem>>, vector<16xi32>,
        %broadcast_in_dim3A_188 = arith.constant true
        %broadcast_in_dim3A_189 = vector.broadcast %broadcast_in_dim3A_188 : i1 to vector<16xi1>
        %unique3A_190, %unique3A_191 = tpu.scan_count mask(%broadcast_in_dim3A_189 : vector<16xi1>) value(%get3A_187 : vector<16xi32>) : vector<16xi1>, vector<16xi32>
        %convert_element_type3A_192 = arith.sitofp %unique3A_191 : vector<16xi32> to vector<16xf32>
        tpu.vector_store_idx %arg15[%get3A_187], %convert_element_type3A_192 masked %unique3A_190 {add = true} : memref<1024xf32, #tpu.memory_space<vmem>>[vector<16xi32>], vector<16xf32>, vector<16xi1>
        %get3A_193 = arith.constant 32 : index
        %get3A_194 = tpu.vector_load %arg12[%get3A_193] {strides = array<i32>} : memref<128xi32, #tpu.memory_space<vmem>>, vector<16xi32>,
        %broadcast_in_dim3A_195 = arith.constant true
        %broadcast_in_dim3A_196 = vector.broadcast %broadcast_in_dim3A_195 : i1 to vector<16xi1>
        %unique3A_197, %unique3A_198 = tpu.scan_count mask(%broadcast_in_dim3A_196 : vector<16xi1>) value(%get3A_194 : vector<16xi32>) : vector<16xi1>, vector<16xi32>
        %convert_element_type3A_199 = arith.sitofp %unique3A_198 : vector<16xi32> to vector<16xf32>
        tpu.vector_store_idx %arg15[%get3A_194], %convert_element_type3A_199 masked %unique3A_197 {add = true} : memref<1024xf32, #tpu.memory_space<vmem>>[vector<16xi32>], vector<16xf32>, vector<16xi1>
        %get3A_200 = arith.constant 48 : index
        %get3A_201 = tpu.vector_load %arg12[%get3A_200] {strides = array<i32>} : memref<128xi32, #tpu.memory_space<vmem>>, vector<16xi32>,
        %broadcast_in_dim3A_202 = arith.constant true
        %broadcast_in_dim3A_203 = vector.broadcast %broadcast_in_dim3A_202 : i1 to vector<16xi1>
        %unique3A_204, %unique3A_205 = tpu.scan_count mask(%broadcast_in_dim3A_203 : vector<16xi1>) value(%get3A_201 : vector<16xi32>) : vector<16xi1>, vector<16xi32>
        %convert_element_type3A_206 = arith.sitofp %unique3A_205 : vector<16xi32> to vector<16xf32>
        tpu.vector_store_idx %arg15[%get3A_201], %convert_element_type3A_206 masked %unique3A_204 {add = true} : memref<1024xf32, #tpu.memory_space<vmem>>[vector<16xi32>], vector<16xf32>, vector<16xi1>
        %get3A_207 = arith.constant 64 : index
        %get3A_208 = tpu.vector_load %arg12[%get3A_207] {strides = array<i32>} : memref<128xi32, #tpu.memory_space<vmem>>, vector<16xi32>,
        %broadcast_in_dim3A_209 = arith.constant true
        %broadcast_in_dim3A_210 = vector.broadcast %broadcast_in_dim3A_209 : i1 to vector<16xi1>
        %unique3A_211, %unique3A_212 = tpu.scan_count mask(%broadcast_in_dim3A_210 : vector<16xi1>) value(%get3A_208 : vector<16xi32>) : vector<16xi1>, vector<16xi32>
        %convert_element_type3A_213 = arith.sitofp %unique3A_212 : vector<16xi32> to vector<16xf32>
        tpu.vector_store_idx %arg15[%get3A_208], %convert_element_type3A_213 masked %unique3A_211 {add = true} : memref<1024xf32, #tpu.memory_space<vmem>>[vector<16xi32>], vector<16xf32>, vector<16xi1>
        %get3A_214 = arith.constant 80 : index
        %get3A_215 = tpu.vector_load %arg12[%get3A_214] {strides = array<i32>} : memref<128xi32, #tpu.memory_space<vmem>>, vector<16xi32>,
        %broadcast_in_dim3A_216 = arith.constant true
        %broadcast_in_dim3A_217 = vector.broadcast %broadcast_in_dim3A_216 : i1 to vector<16xi1>
        %unique3A_218, %unique3A_219 = tpu.scan_count mask(%broadcast_in_dim3A_217 : vector<16xi1>) value(%get3A_215 : vector<16xi32>) : vector<16xi1>, vector<16xi32>
        %convert_element_type3A_220 = arith.sitofp %unique3A_219 : vector<16xi32> to vector<16xf32>
        tpu.vector_store_idx %arg15[%get3A_215], %convert_element_type3A_220 masked %unique3A_218 {add = true} : memref<1024xf32, #tpu.memory_space<vmem>>[vector<16xi32>], vector<16xf32>, vector<16xi1>
        %get3A_221 = arith.constant 96 : index
        %get3A_222 = tpu.vector_load %arg12[%get3A_221] {strides = array<i32>} : memref<128xi32, #tpu.memory_space<vmem>>, vector<16xi32>,
        %broadcast_in_dim3A_223 = arith.constant true
        %broadcast_in_dim3A_224 = vector.broadcast %broadcast_in_dim3A_223 : i1 to vector<16xi1>
        %unique3A_225, %unique3A_226 = tpu.scan_count mask(%broadcast_in_dim3A_224 : vector<16xi1>) value(%get3A_222 : vector<16xi32>) : vector<16xi1>, vector<16xi32>
        %convert_element_type3A_227 = arith.sitofp %unique3A_226 : vector<16xi32> to vector<16xf32>
        tpu.vector_store_idx %arg15[%get3A_222], %convert_element_type3A_227 masked %unique3A_225 {add = true} : memref<1024xf32, #tpu.memory_space<vmem>>[vector<16xi32>], vector<16xf32>, vector<16xi1>
        %get3A_228 = arith.constant 112 : index
        %get3A_229 = tpu.vector_load %arg12[%get3A_228] {strides = array<i32>} : memref<128xi32, #tpu.memory_space<vmem>>, vector<16xi32>,
        %broadcast_in_dim3A_230 = arith.constant true
        %broadcast_in_dim3A_231 = vector.broadcast %broadcast_in_dim3A_230 : i1 to vector<16xi1>
        %unique3A_232, %unique3A_233 = tpu.scan_count mask(%broadcast_in_dim3A_231 : vector<16xi1>) value(%get3A_229 : vector<16xi32>) : vector<16xi1>, vector<16xi32>
        %convert_element_type3A_234 = arith.sitofp %unique3A_233 : vector<16xi32> to vector<16xf32>
        tpu.vector_store_idx %arg15[%get3A_229], %convert_element_type3A_234 masked %unique3A_232 {add = true} : memref<1024xf32, #tpu.memory_space<vmem>>[vector<16xi32>], vector<16xf32>, vector<16xi1>
      } else {
      }
      %while3A_169 = arith.constant 0 : i32
      scf.yield %while3A_169 : i32
    }
    %min3A_68 = arith.constant 4 : i32
    %min3A_69 = arith.minsi %add3A_32, %min3A_68 : i32
    %gt3A = arith.constant 0 : i32
    %gt3A_70 = arith.cmpi sgt, %min3A_69, %gt3A : i32
    %convert_element_type3A = arith.extui %gt3A_70 : i1 to i32
    %cond3A = arith.constant 0 : i32
    %cond3A_71 = arith.cmpi ne, %convert_element_type3A, %cond3A : i32
    scf.if %cond3A_71 {
      %dma_wait3A = arith.constant 0 : i32
      %dma_wait3A_101 = arith.constant 0 : i32
      %dma_wait3A_102 = tpu.memref_slice %arg6[%dma_wait3A, %dma_wait3A_101] : memref<1024x128xf32, #tpu.memory_space<vmem_shared>> -> memref<1024x128xf32, #tpu.memory_space<vmem_shared>>
      tpu.wait_indirect_dma semaphore(%arg25 : memref<!tpu.dma_semaphore, #tpu.memory_space<semaphore_mem>>) src(%arg7 : memref<128x128xf32, #tpu.memory_space<vmem>>) dst(%dma_wait3A_102 : memref<1024x128xf32, #tpu.memory_space<vmem_shared>>)
    } else {
    }
    %min3A_72 = arith.constant 4 : i32
    %min3A_73 = arith.minsi %add3A_32, %min3A_72 : i32
    %gt3A_74 = arith.constant 1 : i32
    %gt3A_75 = arith.cmpi sgt, %min3A_73, %gt3A_74 : i32
    %convert_element_type3A_76 = arith.extui %gt3A_75 : i1 to i32
    %cond3A_77 = arith.constant 0 : i32
    %cond3A_78 = arith.cmpi ne, %convert_element_type3A_76, %cond3A_77 : i32
    scf.if %cond3A_78 {
      %dma_wait3A = arith.constant 0 : i32
      %dma_wait3A_101 = arith.constant 0 : i32
      %dma_wait3A_102 = tpu.memref_slice %arg6[%dma_wait3A, %dma_wait3A_101] : memref<1024x128xf32, #tpu.memory_space<vmem_shared>> -> memref<1024x128xf32, #tpu.memory_space<vmem_shared>>
      tpu.wait_indirect_dma semaphore(%arg26 : memref<!tpu.dma_semaphore, #tpu.memory_space<semaphore_mem>>) src(%arg8 : memref<128x128xf32, #tpu.memory_space<vmem>>) dst(%dma_wait3A_102 : memref<1024x128xf32, #tpu.memory_space<vmem_shared>>)
    } else {
    }
    %min3A_79 = arith.constant 4 : i32
    %min3A_80 = arith.minsi %add3A_32, %min3A_79 : i32
    %gt3A_81 = arith.constant 2 : i32
    %gt3A_82 = arith.cmpi sgt, %min3A_80, %gt3A_81 : i32
    %convert_element_type3A_83 = arith.extui %gt3A_82 : i1 to i32
    %cond3A_84 = arith.constant 0 : i32
    %cond3A_85 = arith.cmpi ne, %convert_element_type3A_83, %cond3A_84 : i32
    scf.if %cond3A_85 {
      %dma_wait3A = arith.constant 0 : i32
      %dma_wait3A_101 = arith.constant 0 : i32
      %dma_wait3A_102 = tpu.memref_slice %arg6[%dma_wait3A, %dma_wait3A_101] : memref<1024x128xf32, #tpu.memory_space<vmem_shared>> -> memref<1024x128xf32, #tpu.memory_space<vmem_shared>>
      tpu.wait_indirect_dma semaphore(%arg27 : memref<!tpu.dma_semaphore, #tpu.memory_space<semaphore_mem>>) src(%arg9 : memref<128x128xf32, #tpu.memory_space<vmem>>) dst(%dma_wait3A_102 : memref<1024x128xf32, #tpu.memory_space<vmem_shared>>)
    } else {
    }
    %min3A_86 = arith.constant 4 : i32
    %min3A_87 = arith.minsi %add3A_32, %min3A_86 : i32
    %gt3A_88 = arith.constant 3 : i32
    %gt3A_89 = arith.cmpi sgt, %min3A_87, %gt3A_88 : i32
    %convert_element_type3A_90 = arith.extui %gt3A_89 : i1 to i32
    %cond3A_91 = arith.constant 0 : i32
    %cond3A_92 = arith.cmpi ne, %convert_element_type3A_90, %cond3A_91 : i32
    scf.if %cond3A_92 {
      %dma_wait3A = arith.constant 0 : i32
      %dma_wait3A_101 = arith.constant 0 : i32
      %dma_wait3A_102 = tpu.memref_slice %arg6[%dma_wait3A, %dma_wait3A_101] : memref<1024x128xf32, #tpu.memory_space<vmem_shared>> -> memref<1024x128xf32, #tpu.memory_space<vmem_shared>>
      tpu.wait_indirect_dma semaphore(%arg28 : memref<!tpu.dma_semaphore, #tpu.memory_space<semaphore_mem>>) src(%arg10 : memref<128x128xf32, #tpu.memory_space<vmem>>) dst(%dma_wait3A_102 : memref<1024x128xf32, #tpu.memory_space<vmem_shared>>)
    } else {
    }
    %barrier3A_93 = arith.constant 0 : index
    tpu.barrier barrier_id(%barrier3A_93)
    %mul3A_94 = arith.constant 1024 : i32
    %mul3A_95 = arith.muli %arg0, %mul3A_94 : i32
    %mul3A_96 = arith.constant 64 : i32
    %mul3A_97 = arith.muli %arg1, %mul3A_96 : i32
    %add3A_98 = arith.addi %mul3A_95, %mul3A_97 : i32
    %mul3A_99 = arith.constant 64 : i32
    %mul3A_100 = arith.muli %arg1, %mul3A_99 : i32
    "tpu.region"() ({
      %run_scoped3A = tpu.sem_alloc : memref<!tpu.dma_semaphore, #tpu.memory_space<semaphore_mem>>
      %dma_start3A = arith.constant 0 : i32
      %dma_start3A_101 = tpu.memref_slice %arg4[%add3A_98, %dma_start3A] : memref<2048x128xf32, #tpu.memory_space<hbm>> -> memref<64x128xf32, #tpu.memory_space<hbm>>
      %dma_start3A_102 = arith.constant 0 : i32
      %dma_start3A_103 = tpu.memref_slice %arg6[%mul3A_100, %dma_start3A_102] : memref<1024x128xf32, #tpu.memory_space<vmem_shared>> -> memref<64x128xf32, #tpu.memory_space<vmem_shared>>
      tpu.enqueue_dma source(%dma_start3A_103 : memref<64x128xf32, #tpu.memory_space<vmem_shared>>) target(%dma_start3A_101 : memref<64x128xf32, #tpu.memory_space<hbm>>) target_semaphore(%run_scoped3A : memref<!tpu.dma_semaphore, #tpu.memory_space<semaphore_mem>>)
      %dma_wait3A = arith.constant 0 : i32
      %dma_wait3A_104 = tpu.memref_slice %arg4[%add3A_98, %dma_wait3A] : memref<2048x128xf32, #tpu.memory_space<hbm>> -> memref<64x128xf32, #tpu.memory_space<hbm>>
      %dma_wait3A_105 = arith.constant 0 : i32
      %dma_wait3A_106 = tpu.memref_slice %arg6[%mul3A_100, %dma_wait3A_105] : memref<1024x128xf32, #tpu.memory_space<vmem_shared>> -> memref<64x128xf32, #tpu.memory_space<vmem_shared>>
      tpu.wait_dma2 semaphore(%run_scoped3A : memref<!tpu.dma_semaphore, #tpu.memory_space<semaphore_mem>>) src(%dma_wait3A_106 : memref<64x128xf32, #tpu.memory_space<vmem_shared>>) dst(%dma_wait3A_104 : memref<64x128xf32, #tpu.memory_space<hbm>>)
      tpu.yield
    }) : () -> ()
    "tpu.region"() ({
      %run_scoped3A = tpu.sem_alloc : memref<!tpu.dma_semaphore, #tpu.memory_space<semaphore_mem>>
      %dma_start3A = arith.constant 0 : i32
      %dma_start3A_101 = tpu.memref_slice %arg5[%add3A, %dma_start3A] : memref<32x1024xf32, #tpu.memory_space<hbm>> -> memref<1x1024xf32, #tpu.memory_space<hbm>>
      %dma_start3A_102 = tpu.memref_squeeze %dma_start3A_101 : memref<1x1024xf32, #tpu.memory_space<hbm>> -> memref<1024xf32, #tpu.memory_space<hbm>>
      %dma_start3A_103 = arith.constant 0 : i32
      %dma_start3A_104 = tpu.memref_slice %arg5[%add3A, %dma_start3A_103] : memref<32x1024xf32, #tpu.memory_space<hbm>> -> memref<1x1024xf32, #tpu.memory_space<hbm>>
      %dma_start3A_105 = tpu.memref_squeeze %dma_start3A_104 : memref<1x1024xf32, #tpu.memory_space<hbm>> -> memref<1024xf32, #tpu.memory_space<hbm>>
      tpu.enqueue_dma source(%arg15 : memref<1024xf32, #tpu.memory_space<vmem>>) target(%dma_start3A_105 : memref<1024xf32, #tpu.memory_space<hbm>>) target_semaphore(%run_scoped3A : memref<!tpu.dma_semaphore, #tpu.memory_space<semaphore_mem>>)
      %dma_wait3A = arith.constant 0 : i32
      %dma_wait3A_106 = tpu.memref_slice %arg5[%add3A, %dma_wait3A] : memref<32x1024xf32, #tpu.memory_space<hbm>> -> memref<1x1024xf32, #tpu.memory_space<hbm>>
      %dma_wait3A_107 = tpu.memref_squeeze %dma_wait3A_106 : memref<1x1024xf32, #tpu.memory_space<hbm>> -> memref<1024xf32, #tpu.memory_space<hbm>>
      %dma_wait3A_108 = arith.constant 0 : i32
      %dma_wait3A_109 = tpu.memref_slice %arg5[%add3A, %dma_wait3A_108] : memref<32x1024xf32, #tpu.memory_space<hbm>> -> memref<1x1024xf32, #tpu.memory_space<hbm>>
      %dma_wait3A_110 = tpu.memref_squeeze %dma_wait3A_109 : memref<1x1024xf32, #tpu.memory_space<hbm>> -> memref<1024xf32, #tpu.memory_space<hbm>>
      tpu.wait_dma2 semaphore(%run_scoped3A : memref<!tpu.dma_semaphore, #tpu.memory_space<semaphore_mem>>) src(%arg15 : memref<1024xf32, #tpu.memory_space<vmem>>) dst(%dma_wait3A_110 : memref<1024xf32, #tpu.memory_space<hbm>>)
      tpu.yield
    }) : () -> ()
    return
  }
}

module attributes {stable_mosaic.version = 14 : i64} {
  func.func @_combine_body(%arg0: memref<2048x128xf32, #tpu.memory_space<vmem>>, %arg1: memref<32x1024xf32, #tpu.memory_space<vmem>>, %arg2: memref<1024x128xf32, #tpu.memory_space<vmem>>) attributes {dimension_semantics = [], scalar_prefetch = 0 : i64, scratch_operands = 0 : i64, tpu.core_type = #tpu.core_type<tc>} {
    %get3A = arith.constant 0 : index
    %get3A_0 = arith.constant 0 : index
    %get3A_1 = vector.load %arg0[%get3A, %get3A_0] : memref<2048x128xf32, #tpu.memory_space<vmem>>, vector<1024x128xf32>
    %get3A_2 = arith.constant 1024 : index
    %get3A_3 = arith.constant 0 : index
    %get3A_4 = vector.load %arg0[%get3A_2, %get3A_3] : memref<2048x128xf32, #tpu.memory_space<vmem>>, vector<1024x128xf32>
    %add3A = arith.addf %get3A_1, %get3A_4 : vector<1024x128xf32>
    %get3A_5 = arith.constant 0 : index
    %get3A_6 = arith.constant 0 : index
    %get3A_7 = vector.load %arg1[%get3A_5, %get3A_6] : memref<32x1024xf32, #tpu.memory_space<vmem>>, vector<32x1024xf32>
    %reduce_sum3A = arith.constant dense<0.000000e+00> : vector<1024xf32>
    %reduce_sum3A_8 = vector.multi_reduction <add>, %get3A_7, %reduce_sum3A [0] : vector<32x1024xf32> to vector<1024xf32>
    %max3A = arith.constant 1.000000e+00 : f32
    %max3A_9 = vector.broadcast %max3A : f32 to vector<1024xf32>
    %max3A_10 = arith.maximumf %reduce_sum3A_8, %max3A_9 : vector<1024xf32>
    %broadcast_in_dim3A = vector.shape_cast %max3A_10 : vector<1024xf32> to vector<1024x1xf32>
    %div3A = vector.broadcast %broadcast_in_dim3A : vector<1024x1xf32> to vector<1024x128xf32>
    %div3A_11 = arith.divf %add3A, %div3A : vector<1024x128xf32>
    %swap3A = arith.constant 0 : index
    %swap3A_12 = arith.constant 0 : index
    %swap3A_13 = vector.load %arg2[%swap3A, %swap3A_12] : memref<1024x128xf32, #tpu.memory_space<vmem>>, vector<1024x128xf32>
    tpu.vector_store %arg2[%swap3A, %swap3A_12], %div3A_11 {strides = array<i32>} : memref<1024x128xf32, #tpu.memory_space<vmem>>, vector<1024x128xf32>,
    return
  }
}

</mosaic_0001>

<sc_bundles>
// kernel: kernel.4.cloned.1.call-start
scs
__scs_entry_jumppad:
0x0: {  	(pc) =	sbr.rel $0x88, $3  }
0x1: {  	(tag) =	ssettag $0x0;
	lr =	simm.s32 $0x1  }
0x2: {  	[smem:$0x3F9F] =	sst lr;
	_ =	strace $0xD0000000  }
0x3: {  	_ = 	snop  }
0x4: {  	_ = 	snop  }
0x5: {  	_ = 	snop  }
0x6: {  	_ = 	snop  }
0x7: {  	_ = 	snop  }
__scs_overlays_trampoline_lowered:
0x8: {  	[smem:$0x3FAE] =	sst s0  }
0x9: {  	[smem:$0x3FAF] =	sst s1  }
0xa: {  	[smem:$0x3FB0] =	sst s2  }
0xb: {  	[smem:$0x3FB1] =	sst s3  }
0xc: {  	[smem:$0x3FB2] =	sst s4  }
0xd: {  	[smem:$0x3FB3] =	sst s5  }
0xe: {  	[smem:$0x3FB4] =	sst s6  }
0xf: {  	[smem:$0x3FB5] =	sst s7  }
0x10: {  	[smem:$0x3FB6] =	sst s8  }
0x11: {  	[smem:$0x3FB7] =	sst s9;
	s0 =	simm.s32 @!p0 $0x0  }
0x12: {  	s1 =	sld [smem:$0x3F9D];
	s0 =	simm.s32 @p0 $0x1  }
0x13: {  	[smem:$0x3FB8] =	sst s0;
	s0 =	simm.s32 @!p1 $0x0  }
0x14: {  	s2 =	sld [smem:$0x3F9C];
	s0 =	simm.s32 @p1 $0x1  }
0x15: {  	[smem:$0x3FB9] =	sst s0;
	s0 =	simm.s32 @!p2 $0x0  }
0x16: {  	s3 =	sld [smem:$0x3FDB];
	s0 =	simm.s32 @p2 $0x1  }
0x17: {  	s4 =	simm.s32 $0x1BF5;
	[smem:$0x3FBB] =	sst s0  }
0x18: {  	s0 =	sld [smem:$0x3F9E];
	_ =	swait.ge [sflag:s4], $0x0  }
0x19: {  	s7 =	sld [smem:$0x3F9F]  }
0x1a: {  	s8 =	sadd.s32 $0xFFFFE003, lr  }
0x1b: {  	s9 =	sadd.s32 $0xFFFFFEF7, lr;
	s5 =	simm.s32 $0xFFFFFFFF;
	p2 =	slt.u32 s8, $0xFFFFF086  }
0x1c: {  	p1 =	slt.u32 s9, $0xF7A;
	s5 =	simm.s32 @!p2 $0x0  }
0x1d: {  	s5 =	simm.s32 @p1 $0x1;
	p0 =	seq.s32 s7, s2  }
0x1e: {  	s7 =	smul.u32 @!p0 $0xF7A, s2;
	p2 =	seq.s32 @!p0 s5, $0x0  }
0x1f: {  	s9 =	smul.u32 $0xF7A, s1;
	s8 =	simm.s32 @!p0 $0x1BF5;
	p2 =	por !p2, p0  }
0x20: {  	[sflag:s8] =	ssyncset.s32 @!p0 $0xFFFFF086;
	s6 =	sadd.s32 @!p0 s3, s7;
	s7 =	simm.s32 @!p0 $0x108  }
0x21: {  	s3 =	sadd.s32 s3, s9;
	s6 =	sadd.s32 @!p0 $0x88, s6;
	s7 =	simm.s32 @p2 $0x1082  }
0x22: {  	[simem:s7], [sflag:s8] =	dma.local @!p0 [hbm:s6], $0xF7A  }
0x23: {  	s9 =	sor.u32 $0xD0000000, s2;
	s6 =	simm.s32 $0x108;
	_ =	swait.ge @!p0 [sflag:s8], $0x0  }
0x24: {  	s3 =	sadd.s32 $0x88, s3;
	s6 =	simm.s32 @!p1 $0x1082;
	[sflag:s4] =	ssyncset.s32 $0xFFFFF086  }
0x25: {  	[simem:s6], [sflag:s4] =	dma.local [hbm:s3], $0xF7A  }
0x26: {  	[smem:$0x3F9F] =	sst s1;
	(tag) =	ssettag s2;
	_ =	strace s9  }
0x27: {  	s1 =	sld [smem:$0x3FAF]  }
0x28: {  	s2 =	sld [smem:$0x3FB0]  }
0x29: {  	s4 =	sld [smem:$0x3FB2]  }
0x2a: {  	p0 =	seq.s32 s5, $0x0;
	s5 =	sld [smem:$0x3FB3]  }
0x2b: {  	s6 =	sld [smem:$0x3FB4]  }
0x2c: {  	s7 =	sld [smem:$0x3FB5]  }
0x2d: {  	s3 =	simm.s32 $0x108;
	s8 =	sld [smem:$0x3FB6]  }
0x2e: {  	s3 =	simm.s32 @!p0 $0x1082;
	s9 =	sld [smem:$0x3FB7]  }
0x2f: {  	lr =	sadd.s32 s0, s3;
	s0 =	sld [smem:$0x3FAE]  }
0x30: {  	s3 =	sld [smem:$0x3FB1]  }
0x31: {  	[smem:$0x3FBA] =	sst s10  }
0x32: {  	s10 =	sld [smem:$0x3FB8];
	_ =	sdelay $0x3  }
0x33: {  	p0 =	seq.s32 s10, $0x1;
	s10 =	sld [smem:$0x3FBA];
	_ =	sdelay $0x3  }
0x34: {  	[smem:$0x3FBA] =	sst s10  }
0x35: {  	s10 =	sld [smem:$0x3FB9];
	_ =	sdelay $0x3  }
0x36: {  	p1 =	seq.s32 s10, $0x1;
	s10 =	sld [smem:$0x3FBA];
	_ =	sdelay $0x3  }
0x37: {  	[smem:$0x3FBA] =	sst s10  }
0x38: {  	s10 =	sld [smem:$0x3FBB]  }
0x39: {  	_ = 	snop;
	(pc) =	sbr.ind lr, $3  }
0x3a: {  	_ = 	snop  }
0x3b: {  	_ = 	snop  }
0x3c: {  	p2 =	seq.s32 s10, $0x1;
	s10 =	sld [smem:$0x3FBA]  }
0x3d: {  	_ =	shalt  }
0x3e: {  	_ =	shalt  }
0x3f: {  	_ =	shalt  }
0x40: {  	_ =	shalt  }
0x41: {  	_ =	shalt  }
0x42: {  	_ =	shalt  }
0x43: {  	_ =	shalt  }
0x44: {  	_ =	shalt  }
0x45: {  	_ =	shalt  }
0x46: {  	_ =	shalt  }
0x47: {  	_ =	shalt  }
0x48: {  	_ =	shalt  }
0x49: {  	_ =	shalt  }
0x4a: {  	_ =	shalt  }
0x4b: {  	_ =	shalt  }
0x4c: {  	_ =	shalt  }
0x4d: {  	_ =	shalt  }
0x4e: {  	_ =	shalt  }
0x4f: {  	_ =	shalt  }
0x50: {  	_ =	shalt  }
0x51: {  	_ =	shalt  }
0x52: {  	_ =	shalt  }
0x53: {  	_ =	shalt  }
0x54: {  	_ =	shalt  }
0x55: {  	_ =	shalt  }
0x56: {  	_ =	shalt  }
0x57: {  	_ =	shalt  }
0x58: {  	_ =	shalt  }
0x59: {  	_ =	shalt  }
0x5a: {  	_ =	shalt  }
0x5b: {  	_ =	shalt  }
0x5c: {  	_ =	shalt  }
0x5d: {  	_ =	shalt  }
0x5e: {  	_ =	shalt  }
0x5f: {  	_ =	shalt  }
0x60: {  	_ =	shalt  }
0x61: {  	_ =	shalt  }
0x62: {  	_ =	shalt  }
0x63: {  	_ =	shalt  }
0x64: {  	_ =	shalt  }
0x65: {  	_ =	shalt  }
0x66: {  	_ =	shalt  }
0x67: {  	_ =	shalt  }
0x68: {  	_ =	shalt  }
0x69: {  	_ =	shalt  }
0x6a: {  	_ =	shalt  }
0x6b: {  	_ =	shalt  }
0x6c: {  	_ =	shalt  }
0x6d: {  	_ =	shalt  }
0x6e: {  	_ =	shalt  }
0x6f: {  	_ =	shalt  }
0x70: {  	_ =	shalt  }
0x71: {  	_ =	shalt  }
0x72: {  	_ =	shalt  }
0x73: {  	_ =	shalt  }
0x74: {  	_ =	shalt  }
0x75: {  	_ =	shalt  }
0x76: {  	_ =	shalt  }
0x77: {  	_ =	shalt  }
0x78: {  	_ =	shalt  }
0x79: {  	_ =	shalt  }
0x7a: {  	_ =	shalt  }
0x7b: {  	_ =	shalt  }
0x7c: {  	_ =	shalt  }
0x7d: {  	_ =	shalt  }
0x7e: {  	_ =	shalt  }
0x7f: {  	_ =	shalt  }
0x80: {  	_ =	shalt  }
0x81: {  	_ =	shalt  }
0x82: {  	_ =	shalt  }
0x83: {  	_ =	shalt  }
0x84: {  	_ =	shalt  }
0x85: {  	_ =	shalt  }
0x86: {  	_ =	shalt  }
0x87: {  	_ =	shalt  }
.Lfunc_end0:
.L_simem_size_0:
called_computation_lowered:
.L_overlay_start_0:
0x88: {  	s2 =	sld [smem:$0x3FD9]  }
0x89: {  	s3 =	sld [smem:$0x3FFE];
	_ =	sdelay $0x1  }
0x8a: {  	s1 =	srdreg.scid  }
0x8b: {  	s0 =	sand.u32 $0x1, s1  }
0x8c: {  	s17 =	sshll.u32 s0, $0xA;
	s2 =	sadd.s32 s3, s2  }
0x8d: {  	s2 =	sadd.s32 s2, s17  }
0x8e: {  	[smem:$0x3FC6] =	sst s2  }
0x8f: {  	_ = 	snop  }
0x90: {  	s2 =	sld [smem:$0x3FC9]  }
0x91: {  	s18 =	sld [smem:$0x3FC8]  }
0x92: {  	s4 =	sld [smem:$0x3FD0];
	(tm) =	ssettm $0x1  }
0x93: {  	s5 =	sld [smem:$0x3FFB];
	_ =	sdelay $0x3  }
0x94: {  	_ =	strace s5  }
0x95: {  	s5 =	sld [smem:$0x3FFC];
	_ =	sdelay $0x3  }
0x96: {  	_ =	strace s5  }
0x97: {  	s5 =	sld [smem:$0x3FFD];
	_ =	sdelay $0x3  }
0x98: {  	_ =	strace s5  }
0x99: {  	_ =	strace $0x8FFFFFFF  }
0x9a: {  	s19 =	sld [smem:$0x3FDB];
	_ =	sdelay $0x1  }
0x9b: {  	s6 =	simm.s32 $_scs_section_size  }
0x9c: {  	s7 =	simm.s32 $_size__tile_overlayer_lowered;
	s8 =	simm.s32 $_tile_overlayer_lowered  }
0x9d: {  	s22 =	simm.s32 $0x1BFF;
	s21 =	sshll.u32 s8, $0x1;
	s5 =	sadd.s32 s6, s19  }
0x9e: {  	s9 =	simm.s32 $0x0;
	s20 =	sshll.u32 s7, $0x1;
	s7 =	sadd.s32 s21, s5  }
0x9f: {  	[timem:s9], [sflag:s22] =	dma.local [hbm:s7], s20  }
0xa0: {  	_ =	swait.ge [sflag:s22], s20  }
0xa1: {  	s6 =	ssub.s32 $0x0, s20;
	[sflag:s22] =	ssyncset.done $0x0  }
0xa2: {  	[sflag:s22] =	ssyncadd.s32 s6;
	_ =	sdelay $0x1  }
0xa3: {  	s23 =	simm.s32 $0x1B8B  }
0xa4: {  	_ =	swait.ge [sflag:s23], $0x1  }
0xa5: {  	[sflag:s23] =	ssyncset.done $0x0  }
0xa6: {  	s25 =	simm.s32 $0x1B8E;
	s24 =	sld [smem:$0x3FFE];
	[sflag:s23] =	ssyncadd.s32 $0xFFFFFFFF  }
0xa7: {  	s26 =	simm.s32 $execute0_lowered;
	[smem:$0x3FD2] =	sst s25  }
0xa8: {  	s7 =	sshll.u32 s26, $0x1;
	_ =	strace $0x80000046;
	[dreg:$0x1] =	wrdreg $0xFFFFFFFF  }
0xa9: {  	s28 =	simm.s32 $_size_execute0_lowered;
	s5 =	sadd.s32 s5, s7;
	[dreg:$0x0] =	wrdreg $0x0  }
0xaa: {  	s7 =	sshll.u32 s28, $0x1;
	[dreg:$0x2] =	wrdreg s5  }
0xab: {  	[dreg:$0x3] =	wrdreg s7  }
0xac: {  	[dreg:$0x4] =	wrdreg $0xC0  }
0xad: {  	_ =	task [dreg:s9], $0x5FFFF  }
0xae: {  	[dreg:$0x1] =	wrdreg $0xFFFFFFFF  }
0xaf: {  	[dreg:$0x0] =	wrdreg $0x60  }
0xb0: {  	[dreg:$0x2] =	wrdreg s2  }
0xb1: {  	[dreg:$0x3] =	wrdreg s18  }
0xb2: {  	[dreg:$0x4] =	wrdreg s24  }
0xb3: {  	[dreg:$0x5] =	wrdreg s4  }
0xb4: {  	[dreg:$0x6] =	wrdreg $0x0  }
0xb5: {  	[dreg:$0x7] =	wrdreg $0x9  }
0xb6: {  	_ =	task.clear_ibuf [dreg:s9], $0x8FFFF;
	_ =	strace $0x90000046  }
0xb7: {  	s29 =	simm.s32 $0x9;
	_ =	strace $0x80000048  }
0xb8: {  	_ =	swait.ge [sflag:s29], $0x1  }
0xb9: {  	[sflag:s29] =	ssyncadd.s32 $0xFFFFFFFF  }
0xba: {  	_ =	strace $0x90000048  }
0xbb: {  	_ =	sfence  }
0xbc: {  	s30 =	sld [smem:$0x0];
	_ =	sdelay $0x2  }
0xbd: {  	s31 =	sshll.u32 s1, $0xD;
	s1 =	sshrl.u32 s1, $0x2  }
0xbe: {  	s3 =	sand.u32 $0x4000, s31;
	s1 =	sadd.s32 s1, s30  }
0xbf: {  	s0 =	sor.u32 s3, s0;
	s1 =	sshll.u32 s1, $0x11  }
0xc0: {  	s0 =	sor.u32 s1, s0  }
0xc1: {  	s0 =	sadd.s32 $0x8F2B, s0  }
0xc2: {  	[sflag:s0] =	ssyncadd.remote.s32 $0x1  }
0xc3: {  	_ =	sfence.sel $0xFFFF  }
0xc4: {  	[dreg:$0x0] =	wrdreg $0xFFFFFFFF;
	(pc) =	sbr.abs _section_cstart, $3  }
0xc5: {  	[dreg:$0x1] =	wrdreg $0xFFFFFFFF  }
0xc6: {  	_ =	task.clear_ibuf [dreg:s9], $0x2FFFF;
	_ =	strace $0x9FFFFFFF  }
0xc7: {  	(tm) =	ssettm $0x7FFFFFFF  }
tec
execute0_lowered:
.L_overlay_start_1:
0x0: {  	(tag) =	ssettag $0x1  }
0x1: {  	s0 =	rddreg [dreg:$0x1]  }
0x2: {  	s1 =	rddreg [dreg:$0x2]  }
0x3: {  	s11 =	rddreg [dreg:$0x3]  }
0x4: {  	s2 =	rddreg [dreg:$0x4]  }
0x5: {  	s4 =	simm.s32 $0x0;
	s5 =	srdreg.scid;
	s3 =	stileid.u32  }
0x6: {  	s8 =	simm.s32 $0x4F;
	s10 =	simm.s32 $0x54;
	[smem:$0x7FF] =	sst s4  }
0x7: {  	s12 =	sand.u32 $0x1, s5;
	s19 =	sshll.u32 s3, $0xA;
	s7 =	sshll.u32 s3, $0xD  }
0x8: {  	s15 =	smul.u32 $0x4E, s3;
	s17 =	sshll.u32 s3, $0x4;
	_ =	strace $0x80000047  }
0x9: {  	s6 =	ssub.s32 $0x2, s12;
	s1 =	sadd.s32 s19, s1;
	s21 =	sshll.u32 s12, $0x4  }
0xa: {  	s5 =	sadd.s32 s7, s2;
	s16 =	sshll.u32 s12, $0xE;
	s12 =	smul.u32 $0x4E0, s12  }
0xb: {  	s17 =	sand.u32 $0x70, s17;
	s19 =	simm.s32 $0x12600;
	s20 =	sshrl.u32 s6, $0x1  }
0xc: {  	s13 =	sor.u32 s3, s21;
	s22 =	sadd.s32 $0x800, s5;
	s7 =	sadd.s32 $0x1000, s5  }
0xd: {  	s9 =	sadd.s32 $0x1800, s5;
	s1 =	sadd.s32 s16, s1;
	s25 =	sadd.s32 s11, s17  }
0xe: {  	s21 =	simm.s32 $0x9;
	s14 =	ssub.s32 s6, s20;
	[dreg:$0xa] =	wrdreg s22  }
0xf: {  	p0 =	slt.u32 s13, $0x4;
	s23 =	sshll.u32 s13, $0x7;
	s13 =	smin.u32 s13, $0x4  }
0x10: {  	s12 =	sadd.s32 s15, s12;
	s11 =	sadd.s32 $0xC00, s1;
	s20 =	simm.s32 $0xD  }
0x11: {  	s22 =	simm.s32 $0xA;
	s8 =	simm.s32 @!p0 $0x4E;
	s10 =	simm.s32 @!p0 $0x50  }
0x12: {  	s24 =	sand.u32 $0xC00, s23;
	s26 =	sadd.s32 s13, s12;
	s14 =	smax.u32 s14, $0x1  }
0x13: {  	s23 =	simm.s32 $0xB;
	[dreg:$0x9] =	wrdreg s10;
	s10 =	simm.s32 $0x50  }
0x14: {  	s12 =	sadd.s32 s24, s25;
	s13 =	sshll.u32 s26, $0xB;
	s28 =	sshll.u32 s26, $0x4  }
0x15: {  	s24 =	simm.s32 $0xC;
	s10 =	simm.s32 @!p0 $0x4F;
	s29 =	sadd.s32 $0x1800, s13  }
0x16: {  	s1 =	sadd.s32 s28, s0;
	s30 =	sadd.s32 $0x1000, s13;
	[dreg:$0x8] =	wrdreg s29  }
0x17: {  	s31 =	sadd.s32 $0x800, s13;
	s0 =	sadd.s32 $0x30, s1;
	[dreg:$0x7] =	wrdreg s30  }
0x18: {  	v0 =	vimm.f32 $0.0e+00;
	s17 =	sadd.s32 $0x20, s1;
	[dreg:$0x6] =	wrdreg s31;
	s18 =	sadd.s32 $0x10, s1  }
.LBB2_1:
0x19: {  	s15 =	simm.s32 $0x0;
	s16 =	simm.s32 $0x0  }
.LBB2_2:
0x1a: {  	p0 =	sne.s32 s16, $0x1FC0  }
.Ltmp0:
0x1b: {  	_ = 	snop;
	(pc) =	sbr.rel @p0 .LBB2_2-.Ltmp0, $4  }
0x1c: {  	s25 =	sand.u32 $0x1E00, s16  }
0x1d: {  	s29 =	sand.u32 $0x70, s15;
	s25 =	sshrl.u32 s25, $0x2  }
0x1e: {  	s25 =	sor.u32 s29, s25  }
0x1f: {  	s15 =	sadd.s32 $0x10, s15;
	s16 =	sadd.s32 $0x40, s16;
	[tilespmem:s25+$0x12600] =	vst v0  }
0x20: {  	s15 =	simm.s32 $0x40;
	s16 =	simm.s32 $0x0  }
.LBB2_4:
0x21: {  	p0 =	sne.s32 s15, $0xFC0;
	[tilespmem:s16+$0x12200] =	vst v0;
	s16 =	smov.u32 s15;
	s15 =	sadd.s32 $0x40, s15  }
.Ltmp1:
0x22: {  	(pc) =	sbr.rel @p0 .LBB2_4-.Ltmp1, $2  }
0x23: {  	_ =	sdelay $0x2  }
0x24: {  	s16 =	sshra.s32 s16, $0x2  }
0x25: {  	[tilespmem:s16+$0x12200] =	vst v0  }
0x26: {  	[spmem:s5] =	stream.linear.scatter [tilespmem:s19], [sflag:$0xD], $0x800, $0x38;
	[tilespmem:$0x12E00] =	vst v63  }
0x27: {  	_ =	swait.ge [sflag:s20], $0x800  }
0x28: {  	[sflag:s20] =	ssyncset.done $0x0  }
0x29: {  	s3 =	rddreg [dreg:$0xa];
	[sflag:s20] =	ssyncadd.s32 $0xFFFFF800  }
0x2a: {  	[spmem:s3] =	stream.linear.scatter [tilespmem:s19], [sflag:$0xD], $0x800, $0x38;
	[tilespmem:$0x12E00] =	vst v63  }
0x2b: {  	_ =	swait.ge [sflag:s20], $0x800  }
0x2c: {  	[sflag:s20] =	ssyncset.done $0x0  }
0x2d: {  	[sflag:s20] =	ssyncadd.s32 $0xFFFFF800  }
0x2e: {  	[spmem:s7] =	stream.linear.scatter [tilespmem:s19], [sflag:$0xD], $0x800, $0x38;
	[tilespmem:$0x12E00] =	vst v63  }
0x2f: {  	_ =	swait.ge [sflag:s20], $0x800  }
0x30: {  	[sflag:s20] =	ssyncset.done $0x0  }
0x31: {  	[sflag:s20] =	ssyncadd.s32 $0xFFFFF800  }
0x32: {  	[spmem:s9] =	stream.linear.scatter [tilespmem:s19], [sflag:$0xD], $0x800, $0x38;
	[tilespmem:$0x12E00] =	vst v63  }
0x33: {  	_ =	swait.ge [sflag:s20], $0x800  }
0x34: {  	[sflag:s20] =	ssyncset.done $0x0  }
0x35: {  	s29 =	simm.s32 $0x0;
	[sflag:s20] =	ssyncadd.s32 $0xFFFFF800  }
0x36: {  	s30 =	smov.u32 s18;
	s31 =	smov.u32 s17;
	[bflag:$0x0] =	sbarrier.arrive $0xFFFF  }
0x37: {  	s16 =	smov.u32 s0;
	s15 =	smov.u32 s1;
	s25 =	rddreg [dreg:$0x0]  }
.LBB2_6:
0x38: {  	p0 =	sge.u32 s29, s8  }
0x39: {  	p1 =	seq.s32 @!p0 s29, $0x0  }
0x3a: {  	p1 =	por p1, p0  }
0x3b: {  	s26 =	simm.s32 @!p1 $0x9  }
0x3c: {  	_ =	swait.ge @!p1 [sflag:s26], $0x4000  }
0x3d: {  	[sflag:s26] =	ssyncset.done @!p1 $0x0  }
0x3e: {  	s28 =	simm.s32 @!p0 $0x12000;
	[sflag:s26] =	ssyncadd.s32 @!p1 $0xFFFFC000;
	s26 =	simm.s32 @!p0 $0x0  }
0x3f: {  	[tilespmem:s28], [sflag:$0x5] =	stream.linear.gather @!p0 [hbm4b:s15+s26], $0x80, $0x38;
	[tilespmem:$0x12E00] =	vst v63  }
0x40: {  	s3 =	simm.s32 @!p0 $0x2000;
	s28 =	sadd.s32 @!p0 s25, s13  }
0x41: {  	[tilespmem:s3], [sflag:$0x1] =	stream.linear.gather @!p0 [hbm4b:s28+s26], $0x4000, $0x38;
	[tilespmem:$0x12E00] =	vst v63  }
0x42: {  	s28 =	sadd.s32 $0xFFFFFFFF, s29  }
0x43: {  	p0 =	sge.u32 s28, s10  }
0x44: {  	s3 =	simm.s32 @!p0 $0x7  }
0x45: {  	_ =	swait.ge @!p0 [sflag:s3], $0x80  }
0x46: {  	[sflag:s3] =	ssyncset.done @!p0 $0x0  }
0x47: {  	[sflag:s3] =	ssyncadd.s32 @!p0 $0xFFFFFF80;
	s3 =	simm.s32 @!p0 $0x3  }
0x48: {  	_ =	swait.ge @!p0 [sflag:s3], $0x4000  }
0x49: {  	s26 =	simm.s32 @!p0 $0x12100;
	[sflag:s3] =	ssyncset.done @!p0 $0x0  }
0x4a: {  	s28 =	simm.s32 @!p0 $0xA000;
	[sflag:s3] =	ssyncadd.s32 @!p0 $0xFFFFC000;
	s3 =	simm.s32 @!p0 $0x80  }
0x4b: {  	[spmem:s2] =	stream.indirect.scatter.add.f32 @!p0 [tilespmem:s28], [sflag:$0xB], $0x80, s26, s3, $0xb8;
	[tilespmem:$0x12E00] =	vst v63  }
0x4c: {  	v1 =	vld @!p0 [tilespmem:$0x12100];
	_ =	sdelay $0x4  }
0x4d: {  	(xrf1) =	vunique.msk.u32 @!p0 $0xffff, v1;
	_ =	sdelay $0xd  }
0x4e: {  	_, v2, vm0 =	vpop @!p0 (xrf1);
	_ =	sdelay $0x3  }
0x4f: {  	v2 =	vcvt.s32.f32 @!p0 v2  }
0x50: {  	s3 =	simm.s32 @!p0 $0x12200  }
0x51: {  	[tilespmem:v1+s3+$0x0] =	vst.idx.add.f32.msk @!p0 vm0, v2  }
0x52: {  	v1 =	vld @!p0 [tilespmem:$0x12110];
	_ =	sdelay $0x4  }
0x53: {  	(xrf1) =	vunique.msk.u32 @!p0 $0xffff, v1;
	_ =	sdelay $0xd  }
0x54: {  	_, v2, vm0 =	vpop @!p0 (xrf1);
	_ =	sdelay $0x3  }
0x55: {  	v2 =	vcvt.s32.f32 @!p0 v2;
	_ =	sdelay $0x1  }
0x56: {  	[tilespmem:v1+s3+$0x0] =	vst.idx.add.f32.msk @!p0 vm0, v2  }
0x57: {  	v1 =	vld @!p0 [tilespmem:$0x12120];
	_ =	sdelay $0x4  }
0x58: {  	(xrf1) =	vunique.msk.u32 @!p0 $0xffff, v1;
	_ =	sdelay $0xd  }
0x59: {  	_, v2, vm0 =	vpop @!p0 (xrf1);
	_ =	sdelay $0x3  }
0x5a: {  	v2 =	vcvt.s32.f32 @!p0 v2;
	_ =	sdelay $0x1  }
0x5b: {  	[tilespmem:v1+s3+$0x0] =	vst.idx.add.f32.msk @!p0 vm0, v2  }
0x5c: {  	v1 =	vld @!p0 [tilespmem:$0x12130];
	_ =	sdelay $0x4  }
0x5d: {  	(xrf1) =	vunique.msk.u32 @!p0 $0xffff, v1;
	_ =	sdelay $0xd  }
0x5e: {  	_, v2, vm0 =	vpop @!p0 (xrf1);
	_ =	sdelay $0x3  }
0x5f: {  	v2 =	vcvt.s32.f32 @!p0 v2;
	_ =	sdelay $0x1  }
0x60: {  	[tilespmem:v1+s3+$0x0] =	vst.idx.add.f32.msk @!p0 vm0, v2  }
0x61: {  	v1 =	vld @!p0 [tilespmem:$0x12140];
	_ =	sdelay $0x4  }
0x62: {  	(xrf1) =	vunique.msk.u32 @!p0 $0xffff, v1;
	_ =	sdelay $0xd  }
0x63: {  	_, v2, vm0 =	vpop @!p0 (xrf1);
	_ =	sdelay $0x3  }
0x64: {  	v2 =	vcvt.s32.f32 @!p0 v2;
	_ =	sdelay $0x1  }
0x65: {  	[tilespmem:v1+s3+$0x0] =	vst.idx.add.f32.msk @!p0 vm0, v2  }
0x66: {  	v1 =	vld @!p0 [tilespmem:$0x12150];
	_ =	sdelay $0x4  }
0x67: {  	(xrf1) =	vunique.msk.u32 @!p0 $0xffff, v1;
	_ =	sdelay $0xd  }
0x68: {  	_, v2, vm0 =	vpop @!p0 (xrf1);
	_ =	sdelay $0x3  }
0x69: {  	v2 =	vcvt.s32.f32 @!p0 v2;
	_ =	sdelay $0x1  }
0x6a: {  	[tilespmem:v1+s3+$0x0] =	vst.idx.add.f32.msk @!p0 vm0, v2  }
0x6b: {  	v1 =	vld @!p0 [tilespmem:$0x12160];
	_ =	sdelay $0x4  }
0x6c: {  	(xrf1) =	vunique.msk.u32 @!p0 $0xffff, v1;
	_ =	sdelay $0xd  }
0x6d: {  	_, v2, vm0 =	vpop @!p0 (xrf1);
	_ =	sdelay $0x3  }
0x6e: {  	v2 =	vcvt.s32.f32 @!p0 v2;
	_ =	sdelay $0x1  }
0x6f: {  	[tilespmem:v1+s3+$0x0] =	vst.idx.add.f32.msk @!p0 vm0, v2  }
0x70: {  	v1 =	vld @!p0 [tilespmem:$0x12170];
	_ =	sdelay $0x4  }
0x71: {  	(xrf1) =	vunique.msk.u32 @!p0 $0xffff, v1;
	_ =	sdelay $0xd  }
0x72: {  	_, v2, vm0 =	vpop @!p0 (xrf1);
	_ =	sdelay $0x1  }
0x73: {  	s6 =	sadd.s32 $0x1, s29  }
0x74: {  	p1 =	sge.u32 s6, s8  }
0x75: {  	p2 =	seq.s32 @!p1 s29, $0x0;
	v2 =	vcvt.s32.f32 @!p0 v2  }
0x76: {  	p2 =	por p2, p1  }
0x77: {  	[tilespmem:v1+s3+$0x0] =	vst.idx.add.f32.msk @!p0 vm0, v2;
	s3 =	simm.s32 @!p2 $0xA  }
0x78: {  	_ =	swait.ge @!p2 [sflag:s3], $0x4000  }
0x79: {  	s28 =	simm.s32 @!p1 $0x12080;
	[sflag:s3] =	ssyncset.done @!p2 $0x0  }
0x7a: {  	s26 =	rddreg [dreg:$0x6];
	[sflag:s3] =	ssyncadd.s32 @!p2 $0xFFFFC000;
	s3 =	simm.s32 @!p1 $0x0  }
0x7b: {  	[tilespmem:s28], [sflag:$0x6] =	stream.linear.gather @!p1 [hbm4b:s30+s3], $0x80, $0x38;
	[tilespmem:$0x12E00] =	vst v63  }
0x7c: {  	p0 =	seq.s32 s29, $0x0;
	s26 =	sadd.s32 @!p1 s25, s26;
	s28 =	simm.s32 @!p1 $0x6000  }
0x7d: {  	[tilespmem:s28], [sflag:$0x2] =	stream.linear.gather @!p1 [hbm4b:s26+s3], $0x4000, $0x38;
	[tilespmem:$0x12E00] =	vst v63  }
0x7e: {  	p1 =	sge.u32 @!p0 s29, s10  }
0x7f: {  	p0 =	por p1, p0  }
0x80: {  	s3 =	simm.s32 @!p0 $0x8  }
0x81: {  	_ =	swait.ge @!p0 [sflag:s3], $0x80  }
0x82: {  	[sflag:s3] =	ssyncset.done @!p0 $0x0  }
0x83: {  	[sflag:s3] =	ssyncadd.s32 @!p0 $0xFFFFFF80;
	s3 =	simm.s32 @!p0 $0x4  }
0x84: {  	_ =	swait.ge @!p0 [sflag:s3], $0x4000  }
0x85: {  	s26 =	simm.s32 @!p0 $0x12180;
	[sflag:s3] =	ssyncset.done @!p0 $0x0  }
0x86: {  	s28 =	simm.s32 @!p0 $0xE000;
	[sflag:s3] =	ssyncadd.s32 @!p0 $0xFFFFC000;
	s3 =	simm.s32 @!p0 $0x80  }
0x87: {  	[spmem:s2] =	stream.indirect.scatter.add.f32 @!p0 [tilespmem:s28], [sflag:$0xC], $0x80, s26, s3, $0xb8;
	[tilespmem:$0x12E00] =	vst v63  }
0x88: {  	v1 =	vld @!p0 [tilespmem:$0x12180];
	_ =	sdelay $0x4  }
0x89: {  	(xrf1) =	vunique.msk.u32 @!p0 $0xffff, v1;
	_ =	sdelay $0xd  }
0x8a: {  	_, v2, vm0 =	vpop @!p0 (xrf1);
	_ =	sdelay $0x3  }
0x8b: {  	v2 =	vcvt.s32.f32 @!p0 v2  }
0x8c: {  	s3 =	simm.s32 @!p0 $0x12200  }
0x8d: {  	[tilespmem:v1+s3+$0x0] =	vst.idx.add.f32.msk @!p0 vm0, v2  }
0x8e: {  	v1 =	vld @!p0 [tilespmem:$0x12190];
	_ =	sdelay $0x4  }
0x8f: {  	(xrf1) =	vunique.msk.u32 @!p0 $0xffff, v1;
	_ =	sdelay $0xd  }
0x90: {  	_, v2, vm0 =	vpop @!p0 (xrf1);
	_ =	sdelay $0x3  }
0x91: {  	v2 =	vcvt.s32.f32 @!p0 v2;
	_ =	sdelay $0x1  }
0x92: {  	[tilespmem:v1+s3+$0x0] =	vst.idx.add.f32.msk @!p0 vm0, v2  }
0x93: {  	v1 =	vld @!p0 [tilespmem:$0x121A0];
	_ =	sdelay $0x4  }
0x94: {  	(xrf1) =	vunique.msk.u32 @!p0 $0xffff, v1;
	_ =	sdelay $0xd  }
0x95: {  	_, v2, vm0 =	vpop @!p0 (xrf1);
	_ =	sdelay $0x3  }
0x96: {  	v2 =	vcvt.s32.f32 @!p0 v2;
	_ =	sdelay $0x1  }
0x97: {  	[tilespmem:v1+s3+$0x0] =	vst.idx.add.f32.msk @!p0 vm0, v2  }
0x98: {  	v1 =	vld @!p0 [tilespmem:$0x121B0];
	_ =	sdelay $0x4  }
0x99: {  	(xrf1) =	vunique.msk.u32 @!p0 $0xffff, v1;
	_ =	sdelay $0xd  }
0x9a: {  	_, v2, vm0 =	vpop @!p0 (xrf1);
	_ =	sdelay $0x3  }
0x9b: {  	v2 =	vcvt.s32.f32 @!p0 v2;
	_ =	sdelay $0x1  }
0x9c: {  	[tilespmem:v1+s3+$0x0] =	vst.idx.add.f32.msk @!p0 vm0, v2  }
0x9d: {  	v1 =	vld @!p0 [tilespmem:$0x121C0];
	_ =	sdelay $0x4  }
0x9e: {  	(xrf1) =	vunique.msk.u32 @!p0 $0xffff, v1;
	_ =	sdelay $0xd  }
0x9f: {  	_, v2, vm0 =	vpop @!p0 (xrf1);
	_ =	sdelay $0x3  }
0xa0: {  	v2 =	vcvt.s32.f32 @!p0 v2;
	_ =	sdelay $0x1  }
0xa1: {  	[tilespmem:v1+s3+$0x0] =	vst.idx.add.f32.msk @!p0 vm0, v2  }
0xa2: {  	v1 =	vld @!p0 [tilespmem:$0x121D0];
	_ =	sdelay $0x4  }
0xa3: {  	(xrf1) =	vunique.msk.u32 @!p0 $0xffff, v1;
	_ =	sdelay $0xd  }
0xa4: {  	_, v2, vm0 =	vpop @!p0 (xrf1);
	_ =	sdelay $0x3  }
0xa5: {  	v2 =	vcvt.s32.f32 @!p0 v2;
	_ =	sdelay $0x1  }
0xa6: {  	[tilespmem:v1+s3+$0x0] =	vst.idx.add.f32.msk @!p0 vm0, v2  }
0xa7: {  	v1 =	vld @!p0 [tilespmem:$0x121E0];
	_ =	sdelay $0x4  }
0xa8: {  	(xrf1) =	vunique.msk.u32 @!p0 $0xffff, v1;
	_ =	sdelay $0xd  }
0xa9: {  	_, v2, vm0 =	vpop @!p0 (xrf1);
	_ =	sdelay $0x3  }
0xaa: {  	v2 =	vcvt.s32.f32 @!p0 v2;
	_ =	sdelay $0x1  }
0xab: {  	[tilespmem:v1+s3+$0x0] =	vst.idx.add.f32.msk @!p0 vm0, v2  }
0xac: {  	v1 =	vld @!p0 [tilespmem:$0x121F0];
	_ =	sdelay $0x4  }
0xad: {  	(xrf1) =	vunique.msk.u32 @!p0 $0xffff, v1;
	_ =	sdelay $0xd  }
0xae: {  	_, v2, vm0 =	vpop @!p0 (xrf1);
	_ =	sdelay $0x1  }
0xaf: {  	s26 =	sadd.s32 $0x2, s29  }
0xb0: {  	p1 =	sge.u32 s26, s8  }
0xb1: {  	p2 =	seq.s32 @!p1 s29, $0x0;
	v2 =	vcvt.s32.f32 @!p0 v2  }
0xb2: {  	p2 =	por p2, p1  }
0xb3: {  	[tilespmem:v1+s3+$0x0] =	vst.idx.add.f32.msk @!p0 vm0, v2;
	s3 =	simm.s32 @!p2 $0xB  }
0xb4: {  	_ =	swait.ge @!p2 [sflag:s3], $0x4000  }
0xb5: {  	s6 =	simm.s32 @!p1 $0x12100;
	[sflag:s3] =	ssyncset.done @!p2 $0x0  }
0xb6: {  	s28 =	rddreg [dreg:$0x7];
	[sflag:s3] =	ssyncadd.s32 @!p2 $0xFFFFC000;
	s3 =	simm.s32 @!p1 $0x0  }
0xb7: {  	[tilespmem:s6], [sflag:$0x7] =	stream.linear.gather @!p1 [hbm4b:s31+s3], $0x80, $0x38;
	[tilespmem:$0x12E00] =	vst v63  }
0xb8: {  	p0 =	sgt.u32 s26, s10;
	s6 =	sadd.s32 @!p1 s25, s28;
	s28 =	simm.s32 @!p1 $0xA000  }
0xb9: {  	[tilespmem:s28], [sflag:$0x3] =	stream.linear.gather @!p1 [hbm4b:s6+s3], $0x4000, $0x38;
	[tilespmem:$0x12E00] =	vst v63  }
0xba: {  	s3 =	simm.s32 @!p0 $0x5  }
0xbb: {  	_ =	swait.ge @!p0 [sflag:s3], $0x80  }
0xbc: {  	[sflag:s3] =	ssyncset.done @!p0 $0x0  }
0xbd: {  	[sflag:s3] =	ssyncadd.s32 @!p0 $0xFFFFFF80;
	s3 =	simm.s32 @!p0 $0x1  }
0xbe: {  	_ =	swait.ge @!p0 [sflag:s3], $0x4000  }
0xbf: {  	s26 =	simm.s32 @!p0 $0x2000;
	[sflag:s3] =	ssyncset.done @!p0 $0x0  }
0xc0: {  	s6 =	simm.s32 @!p0 $0x12000;
	[sflag:s3] =	ssyncadd.s32 @!p0 $0xFFFFC000;
	s3 =	simm.s32 @!p0 $0x80  }
0xc1: {  	[spmem:s2] =	stream.indirect.scatter.add.f32 @!p0 [tilespmem:s26], [sflag:$0x9], $0x80, s6, s3, $0xb8;
	[tilespmem:$0x12E00] =	vst v63  }
0xc2: {  	v1 =	vld @!p0 [tilespmem:$0x12000];
	_ =	sdelay $0x4  }
0xc3: {  	(xrf1) =	vunique.msk.u32 @!p0 $0xffff, v1;
	_ =	sdelay $0xd  }
0xc4: {  	_, v2, vm0 =	vpop @!p0 (xrf1);
	_ =	sdelay $0x3  }
0xc5: {  	v2 =	vcvt.s32.f32 @!p0 v2  }
0xc6: {  	s3 =	simm.s32 @!p0 $0x12200  }
0xc7: {  	[tilespmem:v1+s3+$0x0] =	vst.idx.add.f32.msk @!p0 vm0, v2  }
0xc8: {  	v1 =	vld @!p0 [tilespmem:$0x12010];
	_ =	sdelay $0x4  }
0xc9: {  	(xrf1) =	vunique.msk.u32 @!p0 $0xffff, v1;
	_ =	sdelay $0xd  }
0xca: {  	_, v2, vm0 =	vpop @!p0 (xrf1);
	_ =	sdelay $0x3  }
0xcb: {  	v2 =	vcvt.s32.f32 @!p0 v2;
	_ =	sdelay $0x1  }
0xcc: {  	[tilespmem:v1+s3+$0x0] =	vst.idx.add.f32.msk @!p0 vm0, v2  }
0xcd: {  	v1 =	vld @!p0 [tilespmem:$0x12020];
	_ =	sdelay $0x4  }
0xce: {  	(xrf1) =	vunique.msk.u32 @!p0 $0xffff, v1;
	_ =	sdelay $0xd  }
0xcf: {  	_, v2, vm0 =	vpop @!p0 (xrf1);
	_ =	sdelay $0x3  }
0xd0: {  	v2 =	vcvt.s32.f32 @!p0 v2;
	_ =	sdelay $0x1  }
0xd1: {  	[tilespmem:v1+s3+$0x0] =	vst.idx.add.f32.msk @!p0 vm0, v2  }
0xd2: {  	v1 =	vld @!p0 [tilespmem:$0x12030];
	_ =	sdelay $0x4  }
0xd3: {  	(xrf1) =	vunique.msk.u32 @!p0 $0xffff, v1;
	_ =	sdelay $0xd  }
0xd4: {  	_, v2, vm0 =	vpop @!p0 (xrf1);
	_ =	sdelay $0x3  }
0xd5: {  	v2 =	vcvt.s32.f32 @!p0 v2;
	_ =	sdelay $0x1  }
0xd6: {  	[tilespmem:v1+s3+$0x0] =	vst.idx.add.f32.msk @!p0 vm0, v2  }
0xd7: {  	v1 =	vld @!p0 [tilespmem:$0x12040];
	_ =	sdelay $0x4  }
0xd8: {  	(xrf1) =	vunique.msk.u32 @!p0 $0xffff, v1;
	_ =	sdelay $0xd  }
0xd9: {  	_, v2, vm0 =	vpop @!p0 (xrf1);
	_ =	sdelay $0x3  }
0xda: {  	v2 =	vcvt.s32.f32 @!p0 v2;
	_ =	sdelay $0x1  }
0xdb: {  	[tilespmem:v1+s3+$0x0] =	vst.idx.add.f32.msk @!p0 vm0, v2  }
0xdc: {  	v1 =	vld @!p0 [tilespmem:$0x12050];
	_ =	sdelay $0x4  }
0xdd: {  	(xrf1) =	vunique.msk.u32 @!p0 $0xffff, v1;
	_ =	sdelay $0xd  }
0xde: {  	_, v2, vm0 =	vpop @!p0 (xrf1);
	_ =	sdelay $0x3  }
0xdf: {  	v2 =	vcvt.s32.f32 @!p0 v2;
	_ =	sdelay $0x1  }
0xe0: {  	[tilespmem:v1+s3+$0x0] =	vst.idx.add.f32.msk @!p0 vm0, v2  }
0xe1: {  	v1 =	vld @!p0 [tilespmem:$0x12060];
	_ =	sdelay $0x4  }
0xe2: {  	(xrf1) =	vunique.msk.u32 @!p0 $0xffff, v1;
	_ =	sdelay $0xd  }
0xe3: {  	_, v2, vm0 =	vpop @!p0 (xrf1);
	_ =	sdelay $0x3  }
0xe4: {  	v2 =	vcvt.s32.f32 @!p0 v2;
	_ =	sdelay $0x1  }
0xe5: {  	[tilespmem:v1+s3+$0x0] =	vst.idx.add.f32.msk @!p0 vm0, v2  }
0xe6: {  	v1 =	vld @!p0 [tilespmem:$0x12070];
	_ =	sdelay $0x4  }
0xe7: {  	(xrf1) =	vunique.msk.u32 @!p0 $0xffff, v1;
	_ =	sdelay $0xd  }
0xe8: {  	_, v2, vm0 =	vpop @!p0 (xrf1);
	_ =	sdelay $0x1  }
0xe9: {  	s6 =	sadd.s32 $0x3, s29  }
0xea: {  	p1 =	sge.u32 s6, s8  }
0xeb: {  	p2 =	seq.s32 @!p1 s29, $0x0;
	v2 =	vcvt.s32.f32 @!p0 v2  }
0xec: {  	p2 =	por p2, p1  }
0xed: {  	[tilespmem:v1+s3+$0x0] =	vst.idx.add.f32.msk @!p0 vm0, v2;
	s3 =	simm.s32 @!p2 $0xC  }
0xee: {  	_ =	swait.ge @!p2 [sflag:s3], $0x4000  }
0xef: {  	s28 =	simm.s32 @!p1 $0x12180;
	[sflag:s3] =	ssyncset.done @!p2 $0x0  }
0xf0: {  	s26 =	rddreg [dreg:$0x8];
	[sflag:s3] =	ssyncadd.s32 @!p2 $0xFFFFC000;
	s3 =	simm.s32 @!p1 $0x0  }
0xf1: {  	[tilespmem:s28], [sflag:$0x8] =	stream.linear.gather @!p1 [hbm4b:s16+s3], $0x80, $0x38;
	[tilespmem:$0x12E00] =	vst v63  }
0xf2: {  	p0 =	sgt.u32 s6, s10;
	s26 =	sadd.s32 @!p1 s25, s26;
	s28 =	simm.s32 @!p1 $0xE000  }
0xf3: {  	[tilespmem:s28], [sflag:$0x4] =	stream.linear.gather @!p1 [hbm4b:s26+s3], $0x4000, $0x38;
	[tilespmem:$0x12E00] =	vst v63  }
0xf4: {  	s3 =	simm.s32 @!p0 $0x6  }
0xf5: {  	_ =	swait.ge @!p0 [sflag:s3], $0x80  }
0xf6: {  	[sflag:s3] =	ssyncset.done @!p0 $0x0  }
0xf7: {  	[sflag:s3] =	ssyncadd.s32 @!p0 $0xFFFFFF80;
	s3 =	simm.s32 @!p0 $0x2  }
0xf8: {  	_ =	swait.ge @!p0 [sflag:s3], $0x4000  }
0xf9: {  	s6 =	simm.s32 @!p0 $0x12080;
	[sflag:s3] =	ssyncset.done @!p0 $0x0  }
0xfa: {  	s26 =	simm.s32 @!p0 $0x6000;
	[sflag:s3] =	ssyncadd.s32 @!p0 $0xFFFFC000;
	s3 =	simm.s32 @!p0 $0x80  }
0xfb: {  	[spmem:s2] =	stream.indirect.scatter.add.f32 @!p0 [tilespmem:s26], [sflag:$0xA], $0x80, s6, s3, $0xb8;
	[tilespmem:$0x12E00] =	vst v63  }
0xfc: {  	v1 =	vld @!p0 [tilespmem:$0x12080];
	_ =	sdelay $0x4  }
0xfd: {  	(xrf1) =	vunique.msk.u32 @!p0 $0xffff, v1;
	_ =	sdelay $0xd  }
0xfe: {  	_, v2, vm0 =	vpop @!p0 (xrf1);
	_ =	sdelay $0x3  }
0xff: {  	v2 =	vcvt.s32.f32 @!p0 v2  }
0x100: {  	s3 =	simm.s32 @!p0 $0x12200  }
0x101: {  	[tilespmem:v1+s3+$0x0] =	vst.idx.add.f32.msk @!p0 vm0, v2  }
0x102: {  	v1 =	vld @!p0 [tilespmem:$0x12090];
	_ =	sdelay $0x4  }
0x103: {  	(xrf1) =	vunique.msk.u32 @!p0 $0xffff, v1;
	_ =	sdelay $0xd  }
0x104: {  	_, v2, vm0 =	vpop @!p0 (xrf1);
	_ =	sdelay $0x3  }
0x105: {  	v2 =	vcvt.s32.f32 @!p0 v2;
	_ =	sdelay $0x1  }
0x106: {  	[tilespmem:v1+s3+$0x0] =	vst.idx.add.f32.msk @!p0 vm0, v2  }
0x107: {  	v1 =	vld @!p0 [tilespmem:$0x120A0];
	_ =	sdelay $0x4  }
0x108: {  	(xrf1) =	vunique.msk.u32 @!p0 $0xffff, v1;
	_ =	sdelay $0xd  }
0x109: {  	_, v2, vm0 =	vpop @!p0 (xrf1);
	_ =	sdelay $0x3  }
0x10a: {  	v2 =	vcvt.s32.f32 @!p0 v2;
	_ =	sdelay $0x1  }
0x10b: {  	[tilespmem:v1+s3+$0x0] =	vst.idx.add.f32.msk @!p0 vm0, v2  }
0x10c: {  	v1 =	vld @!p0 [tilespmem:$0x120B0];
	_ =	sdelay $0x4  }
0x10d: {  	(xrf1) =	vunique.msk.u32 @!p0 $0xffff, v1;
	_ =	sdelay $0xd  }
0x10e: {  	_, v2, vm0 =	vpop @!p0 (xrf1);
	_ =	sdelay $0x3  }
0x10f: {  	v2 =	vcvt.s32.f32 @!p0 v2;
	_ =	sdelay $0x1  }
0x110: {  	[tilespmem:v1+s3+$0x0] =	vst.idx.add.f32.msk @!p0 vm0, v2  }
0x111: {  	v1 =	vld @!p0 [tilespmem:$0x120C0];
	_ =	sdelay $0x4  }
0x112: {  	(xrf1) =	vunique.msk.u32 @!p0 $0xffff, v1;
	_ =	sdelay $0xd  }
0x113: {  	_, v2, vm0 =	vpop @!p0 (xrf1);
	_ =	sdelay $0x3  }
0x114: {  	v2 =	vcvt.s32.f32 @!p0 v2;
	_ =	sdelay $0x1  }
0x115: {  	[tilespmem:v1+s3+$0x0] =	vst.idx.add.f32.msk @!p0 vm0, v2  }
0x116: {  	v1 =	vld @!p0 [tilespmem:$0x120D0];
	_ =	sdelay $0x4  }
0x117: {  	(xrf1) =	vunique.msk.u32 @!p0 $0xffff, v1;
	_ =	sdelay $0xd  }
0x118: {  	_, v2, vm0 =	vpop @!p0 (xrf1);
	_ =	sdelay $0x3  }
0x119: {  	v2 =	vcvt.s32.f32 @!p0 v2;
	_ =	sdelay $0x1  }
0x11a: {  	[tilespmem:v1+s3+$0x0] =	vst.idx.add.f32.msk @!p0 vm0, v2  }
0x11b: {  	v1 =	vld @!p0 [tilespmem:$0x120E0];
	_ =	sdelay $0x4  }
0x11c: {  	(xrf1) =	vunique.msk.u32 @!p0 $0xffff, v1;
	_ =	sdelay $0xd  }
0x11d: {  	_, v2, vm0 =	vpop @!p0 (xrf1);
	_ =	sdelay $0x3  }
0x11e: {  	v2 =	vcvt.s32.f32 @!p0 v2;
	_ =	sdelay $0x1  }
0x11f: {  	[tilespmem:v1+s3+$0x0] =	vst.idx.add.f32.msk @!p0 vm0, v2  }
0x120: {  	v1 =	vld @!p0 [tilespmem:$0x120F0];
	_ =	sdelay $0x4  }
0x121: {  	(xrf1) =	vunique.msk.u32 @!p0 $0xffff, v1;
	_ =	sdelay $0xd  }
0x122: {  	s29 =	sadd.s32 $0x4, s29;
	s28 =	rddreg [dreg:$0x9];
	_, v2, vm0 =	vpop @!p0 (xrf1)  }
0x123: {  	p1 =	sne.s32 s28, s29  }
.Ltmp2:
0x124: {  	_ = 	snop;
	(pc) =	sbr.rel @p1 .LBB2_6-.Ltmp2, $4  }
0x125: {  	_ = 	snop  }
0x126: {  	v2 =	vcvt.s32.f32 @!p0 v2  }
0x127: {  	s15 =	sadd.s32 $0x40, s15;
	s30 =	sadd.s32 $0x40, s30  }
0x128: {  	s31 =	sadd.s32 $0x40, s31;
	s25 =	sadd.s32 $0x2000, s25;
	s16 =	sadd.s32 $0x40, s16;
	[tilespmem:v1+s3+$0x0] =	vst.idx.add.f32.msk @!p0 vm0, v2  }
0x129: {  	_ =	swait.ge [sflag:s21], $0x4000  }
0x12a: {  	[sflag:s21] =	ssyncset.done $0x0  }
0x12b: {  	[sflag:s21] =	ssyncadd.s32 $0xFFFFC000  }
0x12c: {  	_ =	swait.ge [sflag:s22], $0x4000  }
0x12d: {  	[sflag:s22] =	ssyncset.done $0x0  }
0x12e: {  	[sflag:s22] =	ssyncadd.s32 $0xFFFFC000  }
0x12f: {  	_ =	swait.ge [sflag:s23], $0x4000  }
0x130: {  	[sflag:s23] =	ssyncset.done $0x0  }
0x131: {  	[sflag:s23] =	ssyncadd.s32 $0xFFFFC000  }
0x132: {  	_ =	swait.ge [sflag:s24], $0x4000  }
0x133: {  	s3 =	stileid.u32;
	[sflag:s24] =	ssyncset.done $0x0  }
0x134: {  	s3 =	sshll.u32 s3, $0x6;
	[sflag:s24] =	ssyncadd.s32 $0xFFFFC000  }
0x135: {  	s6 =	sshrl.u32 s5, $0x3;
	s3 =	sor.u32 $0x1C0D, s3;
	[bflag:$0x0] =	sbarrier.arrive $0xFFFF  }
0x136: {  	[hbm:s11], [sflag:s3] =	dma.local [spmem:s6], $0x400  }
0x137: {  	s30 =	simm.s32 $0x80;
	s4 =	sadd.s32 $0x1, s4;
	_ =	swait.ge [sflag:s20], $0x400  }
0x138: {  	s31 =	simm.s32 $0x400;
	p0 =	sne.s32 s4, s14;
	[sflag:s20] =	ssyncset.done $0x0  }
.Ltmp3:
0x139: {  	s15 =	simm.s32 $0x12200;
	[sflag:s20] =	ssyncadd.s32 $0xFFFFFC00;
	(pc) =	sbr.rel @p0 .LBB2_1-.Ltmp3, $4  }
0x13a: {  	[hbm4b:s12+s30] =	stream.strided.scatter [tilespmem:s15], [sflag:$0xD], $0x400, s31, s30, $0x38;
	[tilespmem:$0x12E00] =	vst v63  }
0x13b: {  	_ =	swait.ge [sflag:s20], $0x400  }
0x13c: {  	[sflag:s20] =	ssyncset.done $0x0  }
0x13d: {  	[sflag:s20] =	ssyncadd.s32 $0xFFFFFC00  }
0x13e: {  	_ =	sfence.sel $0x180000  }
0x13f: {  	[bflag:$0x0] =	sbarrier.arrive $0xFFFF  }
0x140: {  	_ =	strace $0x90000047  }
0x141: {  	s0 =	stileid.u32;
	[bflag:$0x2] =	sbarrier.arrive $0xFFFF  }
0x142: {  	p0 =	sne.s32 s0, $0x0;
	s0 =	rddreg [dreg:$0x5]  }
0x143: {  	s0 =	sadd.s32 @!p0 $0x100000, s0  }
0x144: {  	[sflag:s0] =	ssyncadd.tile.s32 @!p0 $0x1;
	_ =	shalt  }
.Lfunc_end2:
_tile_overlayer_lowered:
.L_overlay_start_2:
0x145: {  	(tag) =	ssettag $0x2  }
0x146: {  	s0 =	rddreg [dreg:$0x0];
	s2 =	stileid.u32  }
0x147: {  	s1 =	rddreg [dreg:$0x1];
	p0 =	sne.s32 s2, $0x0  }
0x148: {  	s3 =	rddreg [dreg:$0x2];
	[bflag:$0x3] =	sbarrier.arrive $0xFFFF;
	s2 =	simm.s32 @!p0 $0x1C0D  }
0x149: {  	[timem:s3], [sflag:s2] =	dma.local @!p0 [hbm:s0], s1  }
0x14a: {  	s0 =	simm.s32 @!p0 $0xD  }
0x14b: {  	_ =	swait.ge @!p0 [sflag:s0], s1  }
0x14c: {  	s1 =	ssub.s32 @!p0 $0x0, s1;
	[sflag:s0] =	ssyncset.done @!p0 $0x0  }
0x14d: {  	[sflag:s0] =	ssyncadd.s32 @!p0 s1  }
0x14e: {  	[bflag:$0x3] =	sbarrier.arrive $0xFFFF  }
0x14f: {  	_ =	shalt  }

</sc_bundles>
